<compile_context>
chip_gen: v7x
topology: tpu7x:2x2x1
jax: 0.10.2.dev20260603
libtpu: 0.0.44.dev20260713+nightly
codegen_flags: <defaults>
</compile_context>

<pallas_src>
import functools

import jax
import jax.numpy as jnp
from jax import lax
from jax.experimental import pallas as pl
from jax.experimental.pallas import tpu as pltpu
from jax.experimental.pallas import tpu_sc as plsc

N = 10000
D = 128
E = 320000
DH = 64
DYH = 80
NC = 2
NS = 16
EPT = E // NS
BLK = 80
NBLK = EPT // BLK
ROWS_PT = N // NS
ZR = 125
ZB = 25
LANES = 16


def _prep_body(f_ref, al_ref, ar_ref, el_ref, er_ref, g_ref, y_ref, mx_ref):
    i = pl.program_id(0)
    f = f_ref[...]
    el = jnp.sum(f * al_ref[...], axis=1)
    er = jnp.sum(f * ar_ref[...], axis=1)
    el_ref[...] = el[:, None]
    er_ref[...] = er[:, None]
    ones = jnp.ones((f.shape[0], 1), jnp.float32)
    zeros = jnp.zeros((f.shape[0], DYH - DH - 1), jnp.float32)
    y_ref[0] = jnp.concatenate([f[:, :DH], ones, zeros], axis=1)
    y_ref[1] = jnp.concatenate([f[:, DH:], ones, zeros], axis=1)
    ml = jnp.max(el)
    mr = jnp.max(er)

    @pl.when(i == 0)
    def _():
        mx_ref[0] = ml
        mx_ref[1] = mr

    @pl.when(i > 0)
    def _():
        mx_ref[0] = jnp.maximum(mx_ref[0], ml)
        mx_ref[1] = jnp.maximum(mx_ref[1], mr)

    t = mx_ref[0] + mx_ref[1]
    g = jnp.where(t > 0.0, t, 0.2 * t)
    g_ref[...] = jnp.full((1, 128), g, jnp.float32)


_PREP_BL = 1000
_prep = pl.pallas_call(
    _prep_body,
    grid=(N // _PREP_BL,),
    in_specs=[
        pl.BlockSpec((_PREP_BL, D), lambda i: (i, 0)),
        pl.BlockSpec((1, D), lambda i: (0, 0)),
        pl.BlockSpec((1, D), lambda i: (0, 0)),
    ],
    out_specs=[
        pl.BlockSpec((_PREP_BL, 1), lambda i: (i, 0)),
        pl.BlockSpec((_PREP_BL, 1), lambda i: (i, 0)),
        pl.BlockSpec((1, 128), lambda i: (0, 0)),
        pl.BlockSpec((NC, _PREP_BL, DYH), lambda i: (0, i, 0)),
    ],
    out_shape=[
        jax.ShapeDtypeStruct((N, 1), jnp.float32),
        jax.ShapeDtypeStruct((N, 1), jnp.float32),
        jax.ShapeDtypeStruct((1, 128), jnp.float32),
        jax.ShapeDtypeStruct((NC, N, DYH), jnp.float32),
    ],
    scratch_shapes=[pltpu.SMEM((2,), jnp.float32)],
)


def _sc_body(y_hbm, el_hbm, er_hbm, src_hbm, dst_hbm, g_hbm, out_hbm,
             el_v, er_v, src_v, dst_v, eb_v, row_v, row_w, zero_v, g_v,
             sg0, sg1, ss0, ss1, u_sh):
    c = lax.axis_index("c")
    s = lax.axis_index("s")

    pltpu.sync_copy(el_hbm, el_v)
    pltpu.sync_copy(er_hbm, er_v)
    pltpu.sync_copy(src_hbm.at[s], src_v)
    pltpu.sync_copy(dst_hbm.at[s], dst_v)
    pltpu.sync_copy(g_hbm.at[0, pl.ds(0, LANES)], g_v)
    gvec = g_v[...]

    z16 = jnp.zeros((LANES,), jnp.float32)

    @pl.loop(0, ZB)
    def _(r):
        for cc in range(DYH // LANES):
            zero_v[r, pl.ds(cc * LANES, LANES)] = z16

    @pl.loop(0, ROWS_PT // ZB)
    def _(j):
        pltpu.sync_copy(zero_v, u_sh.at[pl.ds(s * ROWS_PT + j * ZB, ZB)])

    plsc.subcore_barrier()

    def _gather(b, buf, sem):
        pltpu.async_copy(y_hbm.at[c].at[src_v.at[b]], buf, sem)

    def _wait_gather(b, buf, sem):
        pltpu.make_async_copy(y_hbm.at[c].at[src_v.at[b]], buf, sem).wait()

    def _scatter(b, buf, sem):
        pltpu.async_copy(buf, u_sh.at[dst_v.at[b]], sem, add=True)

    def _wait_scatter(b, buf, sem):
        pltpu.make_async_copy(buf, u_sh.at[dst_v.at[b]], sem).wait()

    def _process(b, buf):
        @plsc.parallel_loop(0, BLK // LANES)
        def _(k):
            srow = src_v[b, pl.ds(k * LANES, LANES)]
            drow = dst_v[b, pl.ds(k * LANES, LANES)]
            t = plsc.load_gather(el_v, [srow]) + plsc.load_gather(er_v, [drow])
            t = jnp.where(t > 0.0, t, 0.2 * t)
            eb_v[pl.ds(k * LANES, LANES)] = jnp.exp(t - gvec)

        @plsc.parallel_loop(0, BLK // LANES)
        def _(k):
            e16 = eb_v[pl.ds(k * LANES, LANES)]

            @plsc.parallel_loop(0, LANES)
            def _(j):
                dn = lax.GatherDimensionNumbers(
                    offset_dims=(), collapsed_slice_dims=(0,),
                    start_index_map=(0,))
                ev = lax.gather(e16, lax.broadcast(j, (LANES, 1)), dn,
                                slice_sizes=(1,),
                                mode=lax.GatherScatterMode.PROMISE_IN_BOUNDS)
                r = k * LANES + j
                for cc in range(DYH // LANES):
                    buf[r, pl.ds(cc * LANES, LANES)] = (
                        buf[r, pl.ds(cc * LANES, LANES)] * ev)

    _gather(0, row_v, sg0)

    @pl.loop(0, NBLK // 2)
    def _(i):
        b0 = 2 * i
        b1 = b0 + 1
        _gather(b1, row_w, sg1)
        _wait_gather(b0, row_v, sg0)
        _process(b0, row_v)
        _scatter(b0, row_v, ss0)
        _wait_gather(b1, row_w, sg1)
        _process(b1, row_w)
        _scatter(b1, row_w, ss1)
        _wait_scatter(b0, row_v, ss0)

        @pl.when(i < NBLK // 2 - 1)
        def _():
            _gather(b0 + 2, row_v, sg0)

        _wait_scatter(b1, row_w, ss1)

    plsc.subcore_barrier()

    @pl.loop(0, ROWS_PT // ZR)
    def _(j):
        base = s * ROWS_PT + j * ZR
        pltpu.sync_copy(u_sh.at[pl.ds(base, ZR)],
                        out_hbm.at[c, pl.ds(base, ZR)])


_sc_cp = pltpu.CompilerParams(
    needs_layout_passes=False, use_tc_tiling_on_sc=False)

_sc = functools.partial(
    pl.kernel,
    compiler_params=_sc_cp,
    out_type=jax.ShapeDtypeStruct((NC, N, DYH), jnp.float32),
    mesh=plsc.VectorSubcoreMesh(core_axis_name="c", subcore_axis_name="s"),
    scratch_types=[
        pltpu.VMEM((N,), jnp.float32),
        pltpu.VMEM((N,), jnp.float32),
        pltpu.VMEM((NBLK, BLK), jnp.int32),
        pltpu.VMEM((NBLK, BLK), jnp.int32),
        pltpu.VMEM((BLK,), jnp.float32),
        pltpu.VMEM((BLK, DYH), jnp.float32),
        pltpu.VMEM((BLK, DYH), jnp.float32),
        pltpu.VMEM((ZB, DYH), jnp.float32),
        pltpu.VMEM((LANES,), jnp.float32),
        pltpu.SemaphoreType.DMA,
        pltpu.SemaphoreType.DMA,
        pltpu.SemaphoreType.DMA,
        pltpu.SemaphoreType.DMA,
        pltpu.VMEM_SHARED((N, DYH), jnp.float32),
    ],
)(_sc_body)


def _final_body(ua_ref, ub_ref, f_ref, w_ref, b_ref, sc_ref, g_ref, o_ref):
    ua = ua_ref[...]
    ub = ub_ref[...]
    eps_term = 1e-9 * jnp.exp(-g_ref[0:1, 0:1])
    da = jnp.sum(ua[:, DH:DYH], axis=1, keepdims=True) + eps_term
    db = jnp.sum(ub[:, DH:DYH], axis=1, keepdims=True) + eps_term
    agg = jnp.concatenate([ua[:, :DH] / da, ub[:, :DH] / db], axis=1)
    h = f_ref[...] * sc_ref[...] + agg
    z = jnp.dot(h, w_ref[...], precision=lax.Precision.HIGHEST) + b_ref[...]
    o_ref[...] = jnp.where(z > 0.0, z, jnp.exp(jnp.minimum(z, 0.0)) - 1.0)


_FIN_BL = 1000
_final = pl.pallas_call(
    _final_body,
    grid=(N // _FIN_BL,),
    in_specs=[
        pl.BlockSpec((_FIN_BL, DYH), lambda i: (i, 0)),
        pl.BlockSpec((_FIN_BL, DYH), lambda i: (i, 0)),
        pl.BlockSpec((_FIN_BL, D), lambda i: (i, 0)),
        pl.BlockSpec((D, D), lambda i: (0, 0)),
        pl.BlockSpec((1, D), lambda i: (0, 0)),
        pl.BlockSpec((1, D), lambda i: (0, 0)),
        pl.BlockSpec((1, 128), lambda i: (0, 0)),
    ],
    out_specs=pl.BlockSpec((_FIN_BL, D), lambda i: (i, 0)),
    out_shape=jax.ShapeDtypeStruct((N, D), jnp.float32),
)


def kernel(feats, edge_index, W, b, a_l, a_r, eps):
    el, er, g, y = _prep(feats, a_l.reshape(1, D), a_r.reshape(1, D))
    src3 = edge_index[0].reshape(NS, NBLK, BLK)
    dst3 = edge_index[1].reshape(NS, NBLK, BLK)
    u2 = _sc(y, el.reshape(N), er.reshape(N), src3, dst3, g)
    scale = jnp.broadcast_to((1.0 + eps).astype(jnp.float32), (1, D))
    return _final(u2[0], u2[1], feats, W, b.reshape(1, D), scale, g)

# --- scband reference (transcript-rebuilt; emitter-appended) ---
"""Pipeline reference for scband-gin-attn-layer-20641612824579 (READ-ONLY COPY).

The authoritative reference and input builder live on the scoring server;
editing this copy changes nothing except your own understanding.
"""

import jax, jax.numpy as jnp
import numpy as np

N = 10000
E = 320000
D = 128

def setup_inputs(seed: int = 0) -> dict:
    key = jax.random.key(seed)
    ks = jax.random.split(key, 8)
    feats = jax.random.normal(ks[0], (N, D), dtype=jnp.float32)
    edge_index = jax.random.randint(ks[1], (2, E), 0, N, dtype=jnp.int32)
    W = jax.random.normal(ks[2], (D, D), dtype=jnp.float32) * (1.0 / np.sqrt(D))
    b = jnp.zeros((D,), dtype=jnp.float32)
    a_l = jax.random.normal(ks[3], (D,), dtype=jnp.float32) * 0.1
    a_r = jax.random.normal(ks[4], (D,), dtype=jnp.float32) * 0.1
    eps = jnp.float32(0.0)
    return {"feats": feats, "edge_index": edge_index, "W": W, "b": b, "a_l": a_l, "a_r": a_r, "eps": eps}

def reference(feats, edge_index, W, b, a_l, a_r, eps):
    # GINConv with GAT-style edge attention, then apply_func (Linear) + ELU activation
    src = edge_index[0]
    dst = edge_index[1]
    # per-node attention projections
    el = feats @ a_l  # [N]
    er = feats @ a_r  # [N]
    # per-edge attention logits with leaky relu (negative_slope=0.2)
    e = jax.nn.leaky_relu(el[src] + er[dst], negative_slope=0.2)  # [E]
    # softmax over incoming edges of each dst node
    m = jax.ops.segment_max(e, dst, num_segments=N)
    e_exp = jnp.exp(e - m[dst])
    denom = jax.ops.segment_sum(e_exp, dst, num_segments=N)
    alpha = e_exp / (denom[dst] + 1e-9)  # [E]
    # attention-weighted neighbor aggregation (scatter-add)
    msgs = alpha[:, None] * feats[src]  # [E, D]
    agg = jax.ops.segment_sum(msgs, dst, num_segments=N)  # [N, D]
    # GIN update: (1 + eps) * x + aggregated neighbors, then apply_func linear
    h = (1.0 + eps) * feats + agg
    out = jax.nn.elu(h @ W + b)
    return out

if __name__ == "__main__":
    import jax
    _d = setup_inputs()
    print(jax.jit(kernel)(*tuple(_d.values())))

</pallas_src>

<mosaic_0001>
#map = affine_map<(d0, d1) -> (0, 0, 0)>
#map1 = affine_map<(d0, d1) -> (0)>
#map2 = affine_map<(d0, d1) -> (0, 0)>
module attributes {stable_mosaic.version = 14 : i64} {
  func.func @_sc_body(%arg0: i32, %arg1: i32, %arg2: memref<2x10000x80xf32, #tpu.memory_space<hbm>>, %arg3: memref<10000xf32, #tpu.memory_space<hbm>>, %arg4: memref<10000xf32, #tpu.memory_space<hbm>>, %arg5: memref<16x250x80xi32, #tpu.memory_space<hbm>>, %arg6: memref<16x250x80xi32, #tpu.memory_space<hbm>>, %arg7: memref<1x128xf32, #tpu.memory_space<hbm>>, %arg8: memref<2x10000x80xf32, #tpu.memory_space<hbm>>, %arg9: memref<10000xf32, #tpu.memory_space<vmem>>, %arg10: memref<10000xf32, #tpu.memory_space<vmem>>, %arg11: memref<250x80xi32, #tpu.memory_space<vmem>>, %arg12: memref<250x80xi32, #tpu.memory_space<vmem>>, %arg13: memref<80xf32, #tpu.memory_space<vmem>>, %arg14: memref<80x80xf32, #tpu.memory_space<vmem>>, %arg15: memref<80x80xf32, #tpu.memory_space<vmem>>, %arg16: memref<25x80xf32, #tpu.memory_space<vmem>>, %arg17: memref<16xf32, #tpu.memory_space<vmem>>, %arg18: memref<!tpu.dma_semaphore, #tpu.memory_space<semaphore_mem>>, %arg19: memref<!tpu.dma_semaphore, #tpu.memory_space<semaphore_mem>>, %arg20: memref<!tpu.dma_semaphore, #tpu.memory_space<semaphore_mem>>, %arg21: memref<!tpu.dma_semaphore, #tpu.memory_space<semaphore_mem>>, %arg22: memref<10000x80xf32, #tpu.memory_space<vmem_shared>>) attributes {dimension_semantics = [#tpu.dimension_semantics<core_parallel>, #tpu.dimension_semantics<subcore_parallel>], iteration_bounds = array<i64: 2, 16>, scalar_prefetch = 0 : i64, scratch_operands = 14 : i64, tpu.core_type = #tpu.core_type<sc_vector_subcore>, window_params = [{transform_indices = #map}, {transform_indices = #map1}, {transform_indices = #map1}, {transform_indices = #map}, {transform_indices = #map}, {transform_indices = #map2}, {transform_indices = #map}]} {
    "tpu.region"() ({
      %run_scoped3A_32 = tpu.sem_alloc : memref<!tpu.dma_semaphore, #tpu.memory_space<semaphore_mem>>
      tpu.enqueue_dma source(%arg3 : memref<10000xf32, #tpu.memory_space<hbm>>) target(%arg9 : memref<10000xf32, #tpu.memory_space<vmem>>) target_semaphore(%run_scoped3A_32 : memref<!tpu.dma_semaphore, #tpu.memory_space<semaphore_mem>>)
      tpu.wait_dma2 semaphore(%run_scoped3A_32 : memref<!tpu.dma_semaphore, #tpu.memory_space<semaphore_mem>>) src(%arg3 : memref<10000xf32, #tpu.memory_space<hbm>>) dst(%arg9 : memref<10000xf32, #tpu.memory_space<vmem>>)
      tpu.yield
    }) : () -> ()
    "tpu.region"() ({
      %run_scoped3A_32 = tpu.sem_alloc : memref<!tpu.dma_semaphore, #tpu.memory_space<semaphore_mem>>
      tpu.enqueue_dma source(%arg4 : memref<10000xf32, #tpu.memory_space<hbm>>) target(%arg10 : memref<10000xf32, #tpu.memory_space<vmem>>) target_semaphore(%run_scoped3A_32 : memref<!tpu.dma_semaphore, #tpu.memory_space<semaphore_mem>>)
      tpu.wait_dma2 semaphore(%run_scoped3A_32 : memref<!tpu.dma_semaphore, #tpu.memory_space<semaphore_mem>>) src(%arg4 : memref<10000xf32, #tpu.memory_space<hbm>>) dst(%arg10 : memref<10000xf32, #tpu.memory_space<vmem>>)
      tpu.yield
    }) : () -> ()
    "tpu.region"() ({
      %run_scoped3A_32 = tpu.sem_alloc : memref<!tpu.dma_semaphore, #tpu.memory_space<semaphore_mem>>
      %dma_start3A_33 = arith.constant 0 : i32
      %dma_start3A_34 = arith.constant 0 : i32
      %dma_start3A_35 = tpu.memref_slice %arg5[%arg1, %dma_start3A_33, %dma_start3A_34] : memref<16x250x80xi32, #tpu.memory_space<hbm>> -> memref<1x250x80xi32, #tpu.memory_space<hbm>>
      %dma_start3A_36 = tpu.memref_squeeze %dma_start3A_35 : memref<1x250x80xi32, #tpu.memory_space<hbm>> -> memref<250x80xi32, #tpu.memory_space<hbm>>
      %dma_start3A_37 = arith.constant 0 : i32
      %dma_start3A_38 = arith.constant 0 : i32
      %dma_start3A_39 = tpu.memref_slice %arg5[%arg1, %dma_start3A_37, %dma_start3A_38] : memref<16x250x80xi32, #tpu.memory_space<hbm>> -> memref<1x250x80xi32, #tpu.memory_space<hbm>>
      %dma_start3A_40 = tpu.memref_squeeze %dma_start3A_39 : memref<1x250x80xi32, #tpu.memory_space<hbm>> -> memref<250x80xi32, #tpu.memory_space<hbm>>
      tpu.enqueue_dma source(%dma_start3A_40 : memref<250x80xi32, #tpu.memory_space<hbm>>) target(%arg11 : memref<250x80xi32, #tpu.memory_space<vmem>>) target_semaphore(%run_scoped3A_32 : memref<!tpu.dma_semaphore, #tpu.memory_space<semaphore_mem>>)
      %dma_wait3A = arith.constant 0 : i32
      %dma_wait3A_41 = arith.constant 0 : i32
      %dma_wait3A_42 = tpu.memref_slice %arg5[%arg1, %dma_wait3A, %dma_wait3A_41] : memref<16x250x80xi32, #tpu.memory_space<hbm>> -> memref<1x250x80xi32, #tpu.memory_space<hbm>>
      %dma_wait3A_43 = tpu.memref_squeeze %dma_wait3A_42 : memref<1x250x80xi32, #tpu.memory_space<hbm>> -> memref<250x80xi32, #tpu.memory_space<hbm>>
      %dma_wait3A_44 = arith.constant 0 : i32
      %dma_wait3A_45 = arith.constant 0 : i32
      %dma_wait3A_46 = tpu.memref_slice %arg5[%arg1, %dma_wait3A_44, %dma_wait3A_45] : memref<16x250x80xi32, #tpu.memory_space<hbm>> -> memref<1x250x80xi32, #tpu.memory_space<hbm>>
      %dma_wait3A_47 = tpu.memref_squeeze %dma_wait3A_46 : memref<1x250x80xi32, #tpu.memory_space<hbm>> -> memref<250x80xi32, #tpu.memory_space<hbm>>
      tpu.wait_dma2 semaphore(%run_scoped3A_32 : memref<!tpu.dma_semaphore, #tpu.memory_space<semaphore_mem>>) src(%dma_wait3A_47 : memref<250x80xi32, #tpu.memory_space<hbm>>) dst(%arg11 : memref<250x80xi32, #tpu.memory_space<vmem>>)
      tpu.yield
    }) : () -> ()
    "tpu.region"() ({
      %run_scoped3A_32 = tpu.sem_alloc : memref<!tpu.dma_semaphore, #tpu.memory_space<semaphore_mem>>
      %dma_start3A_33 = arith.constant 0 : i32
      %dma_start3A_34 = arith.constant 0 : i32
      %dma_start3A_35 = tpu.memref_slice %arg6[%arg1, %dma_start3A_33, %dma_start3A_34] : memref<16x250x80xi32, #tpu.memory_space<hbm>> -> memref<1x250x80xi32, #tpu.memory_space<hbm>>
      %dma_start3A_36 = tpu.memref_squeeze %dma_start3A_35 : memref<1x250x80xi32, #tpu.memory_space<hbm>> -> memref<250x80xi32, #tpu.memory_space<hbm>>
      %dma_start3A_37 = arith.constant 0 : i32
      %dma_start3A_38 = arith.constant 0 : i32
      %dma_start3A_39 = tpu.memref_slice %arg6[%arg1, %dma_start3A_37, %dma_start3A_38] : memref<16x250x80xi32, #tpu.memory_space<hbm>> -> memref<1x250x80xi32, #tpu.memory_space<hbm>>
      %dma_start3A_40 = tpu.memref_squeeze %dma_start3A_39 : memref<1x250x80xi32, #tpu.memory_space<hbm>> -> memref<250x80xi32, #tpu.memory_space<hbm>>
      tpu.enqueue_dma source(%dma_start3A_40 : memref<250x80xi32, #tpu.memory_space<hbm>>) target(%arg12 : memref<250x80xi32, #tpu.memory_space<vmem>>) target_semaphore(%run_scoped3A_32 : memref<!tpu.dma_semaphore, #tpu.memory_space<semaphore_mem>>)
      %dma_wait3A = arith.constant 0 : i32
      %dma_wait3A_41 = arith.constant 0 : i32
      %dma_wait3A_42 = tpu.memref_slice %arg6[%arg1, %dma_wait3A, %dma_wait3A_41] : memref<16x250x80xi32, #tpu.memory_space<hbm>> -> memref<1x250x80xi32, #tpu.memory_space<hbm>>
      %dma_wait3A_43 = tpu.memref_squeeze %dma_wait3A_42 : memref<1x250x80xi32, #tpu.memory_space<hbm>> -> memref<250x80xi32, #tpu.memory_space<hbm>>
      %dma_wait3A_44 = arith.constant 0 : i32
      %dma_wait3A_45 = arith.constant 0 : i32
      %dma_wait3A_46 = tpu.memref_slice %arg6[%arg1, %dma_wait3A_44, %dma_wait3A_45] : memref<16x250x80xi32, #tpu.memory_space<hbm>> -> memref<1x250x80xi32, #tpu.memory_space<hbm>>
      %dma_wait3A_47 = tpu.memref_squeeze %dma_wait3A_46 : memref<1x250x80xi32, #tpu.memory_space<hbm>> -> memref<250x80xi32, #tpu.memory_space<hbm>>
      tpu.wait_dma2 semaphore(%run_scoped3A_32 : memref<!tpu.dma_semaphore, #tpu.memory_space<semaphore_mem>>) src(%dma_wait3A_47 : memref<250x80xi32, #tpu.memory_space<hbm>>) dst(%arg12 : memref<250x80xi32, #tpu.memory_space<vmem>>)
      tpu.yield
    }) : () -> ()
    %run_scoped3A = arith.constant 0 : i32
    "tpu.region"() ({
      %run_scoped3A_32 = tpu.sem_alloc : memref<!tpu.dma_semaphore, #tpu.memory_space<semaphore_mem>>
      %dma_start3A_33 = arith.constant 0 : i32
      %dma_start3A_34 = tpu.memref_slice %arg7[%run_scoped3A, %dma_start3A_33] : memref<1x128xf32, #tpu.memory_space<hbm>> -> memref<1x16xf32, #tpu.memory_space<hbm>>
      %dma_start3A_35 = tpu.memref_squeeze %dma_start3A_34 : memref<1x16xf32, #tpu.memory_space<hbm>> -> memref<16xf32, #tpu.memory_space<hbm>>
      %dma_start3A_36 = arith.constant 0 : i32
      %dma_start3A_37 = tpu.memref_slice %arg7[%run_scoped3A, %dma_start3A_36] : memref<1x128xf32, #tpu.memory_space<hbm>> -> memref<1x16xf32, #tpu.memory_space<hbm>>
      %dma_start3A_38 = tpu.memref_squeeze %dma_start3A_37 : memref<1x16xf32, #tpu.memory_space<hbm>> -> memref<16xf32, #tpu.memory_space<hbm>>
      tpu.enqueue_dma source(%dma_start3A_38 : memref<16xf32, #tpu.memory_space<hbm>>) target(%arg17 : memref<16xf32, #tpu.memory_space<vmem>>) target_semaphore(%run_scoped3A_32 : memref<!tpu.dma_semaphore, #tpu.memory_space<semaphore_mem>>)
      %dma_wait3A = arith.constant 0 : i32
      %dma_wait3A_39 = tpu.memref_slice %arg7[%run_scoped3A, %dma_wait3A] : memref<1x128xf32, #tpu.memory_space<hbm>> -> memref<1x16xf32, #tpu.memory_space<hbm>>
      %dma_wait3A_40 = tpu.memref_squeeze %dma_wait3A_39 : memref<1x16xf32, #tpu.memory_space<hbm>> -> memref<16xf32, #tpu.memory_space<hbm>>
      %dma_wait3A_41 = arith.constant 0 : i32
      %dma_wait3A_42 = tpu.memref_slice %arg7[%run_scoped3A, %dma_wait3A_41] : memref<1x128xf32, #tpu.memory_space<hbm>> -> memref<1x16xf32, #tpu.memory_space<hbm>>
      %dma_wait3A_43 = tpu.memref_squeeze %dma_wait3A_42 : memref<1x16xf32, #tpu.memory_space<hbm>> -> memref<16xf32, #tpu.memory_space<hbm>>
      tpu.wait_dma2 semaphore(%run_scoped3A_32 : memref<!tpu.dma_semaphore, #tpu.memory_space<semaphore_mem>>) src(%dma_wait3A_43 : memref<16xf32, #tpu.memory_space<hbm>>) dst(%arg17 : memref<16xf32, #tpu.memory_space<vmem>>)
      tpu.yield
    }) : () -> ()
    %get3A = arith.constant 0 : index
    %get3A_0 = tpu.vector_load %arg17[%get3A] {strides = array<i32>} : memref<16xf32, #tpu.memory_space<vmem>>, vector<16xf32>,
    %broadcast_in_dim3A = arith.constant 0.000000e+00 : f32
    %broadcast_in_dim3A_1 = vector.broadcast %broadcast_in_dim3A : f32 to vector<16xf32>
    %scan3A = arith.constant 0 : i32
    %scan3A_2 = arith.constant 25 : i32
    %scan3A_3 = arith.addi %scan3A, %scan3A_2 : i32
    %scan3A_4 = arith.constant 1 : i32
    scf.for %scan3A_32 = %scan3A to %scan3A_3 step %scan3A_4  : i32 {
      %mul3A = arith.constant 1 : i32
      %mul3A_33 = arith.muli %scan3A_32, %mul3A : i32
      %add3A = arith.constant 0 : i32
      %add3A_34 = arith.addi %add3A, %mul3A_33 : i32
      %swap3A = arith.index_cast %add3A_34 : i32 to index
      %swap3A_35 = arith.constant 0 : index
      %swap3A_36 = tpu.vector_load %arg16[%swap3A, %swap3A_35] {strides = array<i32>} : memref<25x80xf32, #tpu.memory_space<vmem>>, vector<16xf32>,
      tpu.vector_store %arg16[%swap3A, %swap3A_35], %broadcast_in_dim3A_1 {strides = array<i32>} : memref<25x80xf32, #tpu.memory_space<vmem>>, vector<16xf32>,
      %swap3A_37 = arith.index_cast %add3A_34 : i32 to index
      %swap3A_38 = arith.constant 16 : index
      %swap3A_39 = tpu.vector_load %arg16[%swap3A_37, %swap3A_38] {strides = array<i32>} : memref<25x80xf32, #tpu.memory_space<vmem>>, vector<16xf32>,
      tpu.vector_store %arg16[%swap3A_37, %swap3A_38], %broadcast_in_dim3A_1 {strides = array<i32>} : memref<25x80xf32, #tpu.memory_space<vmem>>, vector<16xf32>,
      %swap3A_40 = arith.index_cast %add3A_34 : i32 to index
      %swap3A_41 = arith.constant 32 : index
      %swap3A_42 = tpu.vector_load %arg16[%swap3A_40, %swap3A_41] {strides = array<i32>} : memref<25x80xf32, #tpu.memory_space<vmem>>, vector<16xf32>,
      tpu.vector_store %arg16[%swap3A_40, %swap3A_41], %broadcast_in_dim3A_1 {strides = array<i32>} : memref<25x80xf32, #tpu.memory_space<vmem>>, vector<16xf32>,
      %swap3A_43 = arith.index_cast %add3A_34 : i32 to index
      %swap3A_44 = arith.constant 48 : index
      %swap3A_45 = tpu.vector_load %arg16[%swap3A_43, %swap3A_44] {strides = array<i32>} : memref<25x80xf32, #tpu.memory_space<vmem>>, vector<16xf32>,
      tpu.vector_store %arg16[%swap3A_43, %swap3A_44], %broadcast_in_dim3A_1 {strides = array<i32>} : memref<25x80xf32, #tpu.memory_space<vmem>>, vector<16xf32>,
      %swap3A_46 = arith.index_cast %add3A_34 : i32 to index
      %swap3A_47 = arith.constant 64 : index
      %swap3A_48 = tpu.vector_load %arg16[%swap3A_46, %swap3A_47] {strides = array<i32>} : memref<25x80xf32, #tpu.memory_space<vmem>>, vector<16xf32>,
      tpu.vector_store %arg16[%swap3A_46, %swap3A_47], %broadcast_in_dim3A_1 {strides = array<i32>} : memref<25x80xf32, #tpu.memory_space<vmem>>, vector<16xf32>,
    }
    %scan3A_5 = arith.constant 25 : i32
    %scan3A_6 = arith.constant 0 : i32
    %scan3A_7 = arith.constant 25 : i32
    %scan3A_8 = arith.addi %scan3A_6, %scan3A_7 : i32
    %scan3A_9 = arith.constant 1 : i32
    scf.for %scan3A_32 = %scan3A_6 to %scan3A_8 step %scan3A_9  : i32 {
      %mul3A = arith.constant 1 : i32
      %mul3A_33 = arith.muli %scan3A_32, %mul3A : i32
      %add3A = arith.constant 0 : i32
      %add3A_34 = arith.addi %add3A, %mul3A_33 : i32
      %mul3A_35 = arith.constant 625 : i32
      %mul3A_36 = arith.muli %arg1, %mul3A_35 : i32
      %mul3A_37 = arith.constant 25 : i32
      %mul3A_38 = arith.muli %add3A_34, %mul3A_37 : i32
      %add3A_39 = arith.addi %mul3A_36, %mul3A_38 : i32
      "tpu.region"() ({
        %run_scoped3A_40 = tpu.sem_alloc : memref<!tpu.dma_semaphore, #tpu.memory_space<semaphore_mem>>
        %dma_start3A_41 = arith.constant 0 : i32
        %dma_start3A_42 = tpu.memref_slice %arg22[%add3A_39, %dma_start3A_41] : memref<10000x80xf32, #tpu.memory_space<vmem_shared>> -> memref<25x80xf32, #tpu.memory_space<vmem_shared>>
        %dma_start3A_43 = arith.constant 0 : i32
        %dma_start3A_44 = tpu.memref_slice %arg22[%add3A_39, %dma_start3A_43] : memref<10000x80xf32, #tpu.memory_space<vmem_shared>> -> memref<25x80xf32, #tpu.memory_space<vmem_shared>>
        tpu.enqueue_dma source(%arg16 : memref<25x80xf32, #tpu.memory_space<vmem>>) target(%dma_start3A_44 : memref<25x80xf32, #tpu.memory_space<vmem_shared>>) target_semaphore(%run_scoped3A_40 : memref<!tpu.dma_semaphore, #tpu.memory_space<semaphore_mem>>)
        %dma_wait3A = arith.constant 0 : i32
        %dma_wait3A_45 = tpu.memref_slice %arg22[%add3A_39, %dma_wait3A] : memref<10000x80xf32, #tpu.memory_space<vmem_shared>> -> memref<25x80xf32, #tpu.memory_space<vmem_shared>>
        %dma_wait3A_46 = arith.constant 0 : i32
        %dma_wait3A_47 = tpu.memref_slice %arg22[%add3A_39, %dma_wait3A_46] : memref<10000x80xf32, #tpu.memory_space<vmem_shared>> -> memref<25x80xf32, #tpu.memory_space<vmem_shared>>
        tpu.wait_dma2 semaphore(%run_scoped3A_40 : memref<!tpu.dma_semaphore, #tpu.memory_space<semaphore_mem>>) src(%arg16 : memref<25x80xf32, #tpu.memory_space<vmem>>) dst(%dma_wait3A_47 : memref<25x80xf32, #tpu.memory_space<vmem_shared>>)
        tpu.yield
      }) : () -> ()
    }
    %scan3A_10 = arith.constant 25 : i32
    %barrier3A = arith.constant 0 : index
    tpu.barrier barrier_id(%barrier3A)
    %dma_start3A = arith.constant 0 : i32
    %dma_start3A_11 = arith.constant 0 : i32
    %dma_start3A_12 = tpu.memref_slice %arg11[%dma_start3A, %dma_start3A_11] : memref<250x80xi32, #tpu.memory_space<vmem>> -> memref<1x80xi32, #tpu.memory_space<vmem>>
    %dma_start3A_13 = tpu.memref_squeeze %dma_start3A_12 : memref<1x80xi32, #tpu.memory_space<vmem>> -> memref<80xi32, #tpu.memory_space<vmem>>
    %dma_start3A_14 = arith.constant 0 : i32
    %dma_start3A_15 = arith.constant 0 : i32
    %dma_start3A_16 = tpu.memref_slice %arg2[%arg0, %dma_start3A_14, %dma_start3A_15] : memref<2x10000x80xf32, #tpu.memory_space<hbm>> -> memref<1x10000x80xf32, #tpu.memory_space<hbm>>
    %dma_start3A_17 = tpu.memref_squeeze %dma_start3A_16 : memref<1x10000x80xf32, #tpu.memory_space<hbm>> -> memref<10000x80xf32, #tpu.memory_space<hbm>>
    %dma_start3A_18 = arith.constant 0 : i32
    %dma_start3A_19 = arith.constant 0 : i32
    %dma_start3A_20 = tpu.memref_slice %dma_start3A_17[%dma_start3A_18, %dma_start3A_19] : memref<10000x80xf32, #tpu.memory_space<hbm>> -> memref<10000x80xf32, #tpu.memory_space<hbm>>
    tpu.enqueue_indirect_dma source(%dma_start3A_20 : memref<10000x80xf32, #tpu.memory_space<hbm>>) target(%arg14 : memref<80x80xf32, #tpu.memory_space<vmem>>) offsets(%dma_start3A_13 : memref<80xi32, #tpu.memory_space<vmem>>) semaphore(%arg18 : memref<!tpu.dma_semaphore, #tpu.memory_space<semaphore_mem>>)
    %scan3A_21 = arith.constant 0 : i32
    %scan3A_22 = arith.constant 125 : i32
    %scan3A_23 = arith.addi %scan3A_21, %scan3A_22 : i32
    %scan3A_24 = arith.constant 1 : i32
    scf.for %scan3A_32 = %scan3A_21 to %scan3A_23 step %scan3A_24  : i32 {
      %mul3A = arith.constant 1 : i32
      %mul3A_33 = arith.muli %scan3A_32, %mul3A : i32
      %add3A = arith.constant 0 : i32
      %add3A_34 = arith.addi %add3A, %mul3A_33 : i32
      %mul3A_35 = arith.constant 2 : i32
      %mul3A_36 = arith.muli %mul3A_35, %add3A_34 : i32
      %add3A_37 = arith.constant 1 : i32
      %add3A_38 = arith.addi %mul3A_36, %add3A_37 : i32
      %dma_start3A_39 = arith.constant 0 : i32
      %dma_start3A_40 = tpu.memref_slice %arg11[%add3A_38, %dma_start3A_39] : memref<250x80xi32, #tpu.memory_space<vmem>> -> memref<1x80xi32, #tpu.memory_space<vmem>>
      %dma_start3A_41 = tpu.memref_squeeze %dma_start3A_40 : memref<1x80xi32, #tpu.memory_space<vmem>> -> memref<80xi32, #tpu.memory_space<vmem>>
      %dma_start3A_42 = arith.constant 0 : i32
      %dma_start3A_43 = arith.constant 0 : i32
      %dma_start3A_44 = tpu.memref_slice %arg2[%arg0, %dma_start3A_42, %dma_start3A_43] : memref<2x10000x80xf32, #tpu.memory_space<hbm>> -> memref<1x10000x80xf32, #tpu.memory_space<hbm>>
      %dma_start3A_45 = tpu.memref_squeeze %dma_start3A_44 : memref<1x10000x80xf32, #tpu.memory_space<hbm>> -> memref<10000x80xf32, #tpu.memory_space<hbm>>
      %dma_start3A_46 = arith.constant 0 : i32
      %dma_start3A_47 = arith.constant 0 : i32
      %dma_start3A_48 = tpu.memref_slice %dma_start3A_45[%dma_start3A_46, %dma_start3A_47] : memref<10000x80xf32, #tpu.memory_space<hbm>> -> memref<10000x80xf32, #tpu.memory_space<hbm>>
      tpu.enqueue_indirect_dma source(%dma_start3A_48 : memref<10000x80xf32, #tpu.memory_space<hbm>>) target(%arg15 : memref<80x80xf32, #tpu.memory_space<vmem>>) offsets(%dma_start3A_41 : memref<80xi32, #tpu.memory_space<vmem>>) semaphore(%arg19 : memref<!tpu.dma_semaphore, #tpu.memory_space<semaphore_mem>>)
      %dma_wait3A = arith.constant 0 : i32
      %dma_wait3A_49 = tpu.memref_slice %arg11[%mul3A_36, %dma_wait3A] : memref<250x80xi32, #tpu.memory_space<vmem>> -> memref<1x80xi32, #tpu.memory_space<vmem>>
      %dma_wait3A_50 = tpu.memref_squeeze %dma_wait3A_49 : memref<1x80xi32, #tpu.memory_space<vmem>> -> memref<80xi32, #tpu.memory_space<vmem>>
      %dma_wait3A_51 = arith.constant 0 : i32
      %dma_wait3A_52 = arith.constant 0 : i32
      %dma_wait3A_53 = tpu.memref_slice %arg2[%arg0, %dma_wait3A_51, %dma_wait3A_52] : memref<2x10000x80xf32, #tpu.memory_space<hbm>> -> memref<1x10000x80xf32, #tpu.memory_space<hbm>>
      %dma_wait3A_54 = tpu.memref_squeeze %dma_wait3A_53 : memref<1x10000x80xf32, #tpu.memory_space<hbm>> -> memref<10000x80xf32, #tpu.memory_space<hbm>>
      %dma_wait3A_55 = arith.constant 0 : i32
      %dma_wait3A_56 = arith.constant 0 : i32
      %dma_wait3A_57 = tpu.memref_slice %dma_wait3A_54[%dma_wait3A_55, %dma_wait3A_56] : memref<10000x80xf32, #tpu.memory_space<hbm>> -> memref<10000x80xf32, #tpu.memory_space<hbm>>
      tpu.wait_indirect_dma semaphore(%arg18 : memref<!tpu.dma_semaphore, #tpu.memory_space<semaphore_mem>>) src(%dma_wait3A_57 : memref<10000x80xf32, #tpu.memory_space<hbm>>) dst(%arg14 : memref<80x80xf32, #tpu.memory_space<vmem>>)
      %parallel_loop3A = arith.constant 0 : i32
      %parallel_loop3A_58 = arith.constant 5 : i32
      %parallel_loop3A_59 = arith.constant 1 : i32
      scf.for %parallel_loop3A_105 = %parallel_loop3A to %parallel_loop3A_58 step %parallel_loop3A_59  : i32 {
        %parallel_loop3A_106 = arith.constant 16 : i32
        %parallel_loop3A_107 = arith.muli %parallel_loop3A_105, %parallel_loop3A_106 : i32
        %parallel_loop3A_108 = arith.index_cast %mul3A_36 : i32 to index
        %parallel_loop3A_109 = arith.index_cast %parallel_loop3A_107 : i32 to index
        %parallel_loop3A_110 = tpu.vector_load %arg11[%parallel_loop3A_108, %parallel_loop3A_109] {strides = array<i32>} : memref<250x80xi32, #tpu.memory_space<vmem>>, vector<16xi32>,
        %parallel_loop3A_111 = arith.constant 16 : i32
        %parallel_loop3A_112 = arith.muli %parallel_loop3A_105, %parallel_loop3A_111 : i32
        %parallel_loop3A_113 = arith.index_cast %mul3A_36 : i32 to index
        %parallel_loop3A_114 = arith.index_cast %parallel_loop3A_112 : i32 to index
        %parallel_loop3A_115 = tpu.vector_load %arg12[%parallel_loop3A_113, %parallel_loop3A_114] {strides = array<i32>} : memref<250x80xi32, #tpu.memory_space<vmem>>, vector<16xi32>,
        %parallel_loop3A_116 = tpu.vector_load_idx %arg9[%parallel_loop3A_110] : memref<10000xf32, #tpu.memory_space<vmem>>[vector<16xi32>], vector<16xf32>,
        %parallel_loop3A_117 = tpu.vector_load_idx %arg10[%parallel_loop3A_115] : memref<10000xf32, #tpu.memory_space<vmem>>[vector<16xi32>], vector<16xf32>,
        %parallel_loop3A_118 = arith.addf %parallel_loop3A_116, %parallel_loop3A_117 : vector<16xf32>
        %parallel_loop3A_119 = arith.constant 0.000000e+00 : f32
        %parallel_loop3A_120 = vector.broadcast %parallel_loop3A_119 : f32 to vector<16xf32>
        %parallel_loop3A_121 = arith.cmpf ogt, %parallel_loop3A_118, %parallel_loop3A_120 : vector<16xf32>
        %parallel_loop3A_122 = arith.constant 2.000000e-01 : f32
        %parallel_loop3A_123 = vector.broadcast %parallel_loop3A_122 : f32 to vector<16xf32>
        %parallel_loop3A_124 = arith.mulf %parallel_loop3A_123, %parallel_loop3A_118 : vector<16xf32>
        %parallel_loop3A_125 = arith.select %parallel_loop3A_121, %parallel_loop3A_118, %parallel_loop3A_124 : vector<16xi1>, vector<16xf32>
        %parallel_loop3A_126 = arith.subf %parallel_loop3A_125, %get3A_0 : vector<16xf32>
        %parallel_loop3A_127 = math.exp %parallel_loop3A_126 : vector<16xf32>
        %parallel_loop3A_128 = arith.constant 16 : i32
        %parallel_loop3A_129 = arith.muli %parallel_loop3A_105, %parallel_loop3A_128 : i32
        %parallel_loop3A_130 = arith.index_cast %parallel_loop3A_129 : i32 to index
        %parallel_loop3A_131 = tpu.vector_load %arg13[%parallel_loop3A_130] {strides = array<i32>} : memref<80xf32, #tpu.memory_space<vmem>>, vector<16xf32>,
        tpu.vector_store %arg13[%parallel_loop3A_130], %parallel_loop3A_127 {strides = array<i32>} : memref<80xf32, #tpu.memory_space<vmem>>, vector<16xf32>,
      } {sc.loop_unroll_factor = 1 : i64, sc.parallel_access}
      %parallel_loop3A_60 = arith.constant 0 : i32
      %parallel_loop3A_61 = arith.constant 5 : i32
      %parallel_loop3A_62 = arith.constant 1 : i32
      scf.for %parallel_loop3A_105 = %parallel_loop3A_60 to %parallel_loop3A_61 step %parallel_loop3A_62  : i32 {
        %parallel_loop3A_106 = arith.constant 16 : i32
        %parallel_loop3A_107 = arith.muli %parallel_loop3A_105, %parallel_loop3A_106 : i32
        %parallel_loop3A_108 = arith.index_cast %parallel_loop3A_107 : i32 to index
        %parallel_loop3A_109 = tpu.vector_load %arg13[%parallel_loop3A_108] {strides = array<i32>} : memref<80xf32, #tpu.memory_space<vmem>>, vector<16xf32>,
        %parallel_loop3A_110 = arith.constant 0 : i32
        %parallel_loop3A_111 = arith.constant 16 : i32
        %parallel_loop3A_112 = arith.constant 1 : i32
        scf.for %parallel_loop3A_113 = %parallel_loop3A_110 to %parallel_loop3A_111 step %parallel_loop3A_112  : i32 {
          %parallel_loop3A_114 = vector.broadcast %parallel_loop3A_113 : i32 to vector<16x1xi32>
          %parallel_loop3A_115 = vector.shape_cast %parallel_loop3A_114 : vector<16x1xi32> to vector<16xi32>
          %parallel_loop3A_116 = tpu.dynamic_gather %parallel_loop3A_109[%parallel_loop3A_115] in [0] : vector<16xf32>, vector<16xi32> -> vector<16xf32>
          %parallel_loop3A_117 = arith.constant 16 : i32
          %parallel_loop3A_118 = arith.muli %parallel_loop3A_105, %parallel_loop3A_117 : i32
          %parallel_loop3A_119 = arith.addi %parallel_loop3A_118, %parallel_loop3A_113 : i32
          %parallel_loop3A_120 = arith.index_cast %parallel_loop3A_119 : i32 to index
          %parallel_loop3A_121 = arith.constant 0 : index
          %parallel_loop3A_122 = tpu.vector_load %arg14[%parallel_loop3A_120, %parallel_loop3A_121] {strides = array<i32>} : memref<80x80xf32, #tpu.memory_space<vmem>>, vector<16xf32>,
          %parallel_loop3A_123 = arith.mulf %parallel_loop3A_122, %parallel_loop3A_116 : vector<16xf32>
          %parallel_loop3A_124 = arith.index_cast %parallel_loop3A_119 : i32 to index
          %parallel_loop3A_125 = arith.constant 0 : index
          %parallel_loop3A_126 = tpu.vector_load %arg14[%parallel_loop3A_124, %parallel_loop3A_125] {strides = array<i32>} : memref<80x80xf32, #tpu.memory_space<vmem>>, vector<16xf32>,
          tpu.vector_store %arg14[%parallel_loop3A_124, %parallel_loop3A_125], %parallel_loop3A_123 {strides = array<i32>} : memref<80x80xf32, #tpu.memory_space<vmem>>, vector<16xf32>,
          %parallel_loop3A_127 = arith.index_cast %parallel_loop3A_119 : i32 to index
          %parallel_loop3A_128 = arith.constant 16 : index
          %parallel_loop3A_129 = tpu.vector_load %arg14[%parallel_loop3A_127, %parallel_loop3A_128] {strides = array<i32>} : memref<80x80xf32, #tpu.memory_space<vmem>>, vector<16xf32>,
          %parallel_loop3A_130 = arith.mulf %parallel_loop3A_129, %parallel_loop3A_116 : vector<16xf32>
          %parallel_loop3A_131 = arith.index_cast %parallel_loop3A_119 : i32 to index
          %parallel_loop3A_132 = arith.constant 16 : index
          %parallel_loop3A_133 = tpu.vector_load %arg14[%parallel_loop3A_131, %parallel_loop3A_132] {strides = array<i32>} : memref<80x80xf32, #tpu.memory_space<vmem>>, vector<16xf32>,
          tpu.vector_store %arg14[%parallel_loop3A_131, %parallel_loop3A_132], %parallel_loop3A_130 {strides = array<i32>} : memref<80x80xf32, #tpu.memory_space<vmem>>, vector<16xf32>,
          %parallel_loop3A_134 = arith.index_cast %parallel_loop3A_119 : i32 to index
          %parallel_loop3A_135 = arith.constant 32 : index
          %parallel_loop3A_136 = tpu.vector_load %arg14[%parallel_loop3A_134, %parallel_loop3A_135] {strides = array<i32>} : memref<80x80xf32, #tpu.memory_space<vmem>>, vector<16xf32>,
          %parallel_loop3A_137 = arith.mulf %parallel_loop3A_136, %parallel_loop3A_116 : vector<16xf32>
          %parallel_loop3A_138 = arith.index_cast %parallel_loop3A_119 : i32 to index
          %parallel_loop3A_139 = arith.constant 32 : index
          %parallel_loop3A_140 = tpu.vector_load %arg14[%parallel_loop3A_138, %parallel_loop3A_139] {strides = array<i32>} : memref<80x80xf32, #tpu.memory_space<vmem>>, vector<16xf32>,
          tpu.vector_store %arg14[%parallel_loop3A_138, %parallel_loop3A_139], %parallel_loop3A_137 {strides = array<i32>} : memref<80x80xf32, #tpu.memory_space<vmem>>, vector<16xf32>,
          %parallel_loop3A_141 = arith.index_cast %parallel_loop3A_119 : i32 to index
          %parallel_loop3A_142 = arith.constant 48 : index
          %parallel_loop3A_143 = tpu.vector_load %arg14[%parallel_loop3A_141, %parallel_loop3A_142] {strides = array<i32>} : memref<80x80xf32, #tpu.memory_space<vmem>>, vector<16xf32>,
          %parallel_loop3A_144 = arith.mulf %parallel_loop3A_143, %parallel_loop3A_116 : vector<16xf32>
          %parallel_loop3A_145 = arith.index_cast %parallel_loop3A_119 : i32 to index
          %parallel_loop3A_146 = arith.constant 48 : index
          %parallel_loop3A_147 = tpu.vector_load %arg14[%parallel_loop3A_145, %parallel_loop3A_146] {strides = array<i32>} : memref<80x80xf32, #tpu.memory_space<vmem>>, vector<16xf32>,
          tpu.vector_store %arg14[%parallel_loop3A_145, %parallel_loop3A_146], %parallel_loop3A_144 {strides = array<i32>} : memref<80x80xf32, #tpu.memory_space<vmem>>, vector<16xf32>,
          %parallel_loop3A_148 = arith.index_cast %parallel_loop3A_119 : i32 to index
          %parallel_loop3A_149 = arith.constant 64 : index
          %parallel_loop3A_150 = tpu.vector_load %arg14[%parallel_loop3A_148, %parallel_loop3A_149] {strides = array<i32>} : memref<80x80xf32, #tpu.memory_space<vmem>>, vector<16xf32>,
          %parallel_loop3A_151 = arith.mulf %parallel_loop3A_150, %parallel_loop3A_116 : vector<16xf32>
          %parallel_loop3A_152 = arith.index_cast %parallel_loop3A_119 : i32 to index
          %parallel_loop3A_153 = arith.constant 64 : index
          %parallel_loop3A_154 = tpu.vector_load %arg14[%parallel_loop3A_152, %parallel_loop3A_153] {strides = array<i32>} : memref<80x80xf32, #tpu.memory_space<vmem>>, vector<16xf32>,
          tpu.vector_store %arg14[%parallel_loop3A_152, %parallel_loop3A_153], %parallel_loop3A_151 {strides = array<i32>} : memref<80x80xf32, #tpu.memory_space<vmem>>, vector<16xf32>,
        } {sc.loop_unroll_factor = 1 : i64, sc.parallel_access}
      } {sc.loop_unroll_factor = 1 : i64, sc.parallel_access}
      %dma_start3A_63 = arith.constant 0 : i32
      %dma_start3A_64 = tpu.memref_slice %arg12[%mul3A_36, %dma_start3A_63] : memref<250x80xi32, #tpu.memory_space<vmem>> -> memref<1x80xi32, #tpu.memory_space<vmem>>
      %dma_start3A_65 = tpu.memref_squeeze %dma_start3A_64 : memref<1x80xi32, #tpu.memory_space<vmem>> -> memref<80xi32, #tpu.memory_space<vmem>>
      %dma_start3A_66 = arith.constant 0 : i32
      %dma_start3A_67 = arith.constant 0 : i32
      %dma_start3A_68 = tpu.memref_slice %arg22[%dma_start3A_66, %dma_start3A_67] : memref<10000x80xf32, #tpu.memory_space<vmem_shared>> -> memref<10000x80xf32, #tpu.memory_space<vmem_shared>>
      tpu.enqueue_indirect_dma source(%arg14 : memref<80x80xf32, #tpu.memory_space<vmem>>) target(%dma_start3A_68 : memref<10000x80xf32, #tpu.memory_space<vmem_shared>>) offsets(%dma_start3A_65 : memref<80xi32, #tpu.memory_space<vmem>>) semaphore(%arg20 : memref<!tpu.dma_semaphore, #tpu.memory_space<semaphore_mem>>) {add = true}
      %dma_wait3A_69 = arith.constant 0 : i32
      %dma_wait3A_70 = tpu.memref_slice %arg11[%add3A_38, %dma_wait3A_69] : memref<250x80xi32, #tpu.memory_space<vmem>> -> memref<1x80xi32, #tpu.memory_space<vmem>>
      %dma_wait3A_71 = tpu.memref_squeeze %dma_wait3A_70 : memref<1x80xi32, #tpu.memory_space<vmem>> -> memref<80xi32, #tpu.memory_space<vmem>>
      %dma_wait3A_72 = arith.constant 0 : i32
      %dma_wait3A_73 = arith.constant 0 : i32
      %dma_wait3A_74 = tpu.memref_slice %arg2[%arg0, %dma_wait3A_72, %dma_wait3A_73] : memref<2x10000x80xf32, #tpu.memory_space<hbm>> -> memref<1x10000x80xf32, #tpu.memory_space<hbm>>
      %dma_wait3A_75 = tpu.memref_squeeze %dma_wait3A_74 : memref<1x10000x80xf32, #tpu.memory_space<hbm>> -> memref<10000x80xf32, #tpu.memory_space<hbm>>
      %dma_wait3A_76 = arith.constant 0 : i32
      %dma_wait3A_77 = arith.constant 0 : i32
      %dma_wait3A_78 = tpu.memref_slice %dma_wait3A_75[%dma_wait3A_76, %dma_wait3A_77] : memref<10000x80xf32, #tpu.memory_space<hbm>> -> memref<10000x80xf32, #tpu.memory_space<hbm>>
      tpu.wait_indirect_dma semaphore(%arg19 : memref<!tpu.dma_semaphore, #tpu.memory_space<semaphore_mem>>) src(%dma_wait3A_78 : memref<10000x80xf32, #tpu.memory_space<hbm>>) dst(%arg15 : memref<80x80xf32, #tpu.memory_space<vmem>>)
      %parallel_loop3A_79 = arith.constant 0 : i32
      %parallel_loop3A_80 = arith.constant 5 : i32
      %parallel_loop3A_81 = arith.constant 1 : i32
      scf.for %parallel_loop3A_105 = %parallel_loop3A_79 to %parallel_loop3A_80 step %parallel_loop3A_81  : i32 {
        %parallel_loop3A_106 = arith.constant 16 : i32
        %parallel_loop3A_107 = arith.muli %parallel_loop3A_105, %parallel_loop3A_106 : i32
        %parallel_loop3A_108 = arith.index_cast %add3A_38 : i32 to index
        %parallel_loop3A_109 = arith.index_cast %parallel_loop3A_107 : i32 to index
        %parallel_loop3A_110 = tpu.vector_load %arg11[%parallel_loop3A_108, %parallel_loop3A_109] {strides = array<i32>} : memref<250x80xi32, #tpu.memory_space<vmem>>, vector<16xi32>,
        %parallel_loop3A_111 = arith.constant 16 : i32
        %parallel_loop3A_112 = arith.muli %parallel_loop3A_105, %parallel_loop3A_111 : i32
        %parallel_loop3A_113 = arith.index_cast %add3A_38 : i32 to index
        %parallel_loop3A_114 = arith.index_cast %parallel_loop3A_112 : i32 to index
        %parallel_loop3A_115 = tpu.vector_load %arg12[%parallel_loop3A_113, %parallel_loop3A_114] {strides = array<i32>} : memref<250x80xi32, #tpu.memory_space<vmem>>, vector<16xi32>,
        %parallel_loop3A_116 = tpu.vector_load_idx %arg9[%parallel_loop3A_110] : memref<10000xf32, #tpu.memory_space<vmem>>[vector<16xi32>], vector<16xf32>,
        %parallel_loop3A_117 = tpu.vector_load_idx %arg10[%parallel_loop3A_115] : memref<10000xf32, #tpu.memory_space<vmem>>[vector<16xi32>], vector<16xf32>,
        %parallel_loop3A_118 = arith.addf %parallel_loop3A_116, %parallel_loop3A_117 : vector<16xf32>
        %parallel_loop3A_119 = arith.constant 0.000000e+00 : f32
        %parallel_loop3A_120 = vector.broadcast %parallel_loop3A_119 : f32 to vector<16xf32>
        %parallel_loop3A_121 = arith.cmpf ogt, %parallel_loop3A_118, %parallel_loop3A_120 : vector<16xf32>
        %parallel_loop3A_122 = arith.constant 2.000000e-01 : f32
        %parallel_loop3A_123 = vector.broadcast %parallel_loop3A_122 : f32 to vector<16xf32>
        %parallel_loop3A_124 = arith.mulf %parallel_loop3A_123, %parallel_loop3A_118 : vector<16xf32>
        %parallel_loop3A_125 = arith.select %parallel_loop3A_121, %parallel_loop3A_118, %parallel_loop3A_124 : vector<16xi1>, vector<16xf32>
        %parallel_loop3A_126 = arith.subf %parallel_loop3A_125, %get3A_0 : vector<16xf32>
        %parallel_loop3A_127 = math.exp %parallel_loop3A_126 : vector<16xf32>
        %parallel_loop3A_128 = arith.constant 16 : i32
        %parallel_loop3A_129 = arith.muli %parallel_loop3A_105, %parallel_loop3A_128 : i32
        %parallel_loop3A_130 = arith.index_cast %parallel_loop3A_129 : i32 to index
        %parallel_loop3A_131 = tpu.vector_load %arg13[%parallel_loop3A_130] {strides = array<i32>} : memref<80xf32, #tpu.memory_space<vmem>>, vector<16xf32>,
        tpu.vector_store %arg13[%parallel_loop3A_130], %parallel_loop3A_127 {strides = array<i32>} : memref<80xf32, #tpu.memory_space<vmem>>, vector<16xf32>,
      } {sc.loop_unroll_factor = 1 : i64, sc.parallel_access}
      %parallel_loop3A_82 = arith.constant 0 : i32
      %parallel_loop3A_83 = arith.constant 5 : i32
      %parallel_loop3A_84 = arith.constant 1 : i32
      scf.for %parallel_loop3A_105 = %parallel_loop3A_82 to %parallel_loop3A_83 step %parallel_loop3A_84  : i32 {
        %parallel_loop3A_106 = arith.constant 16 : i32
        %parallel_loop3A_107 = arith.muli %parallel_loop3A_105, %parallel_loop3A_106 : i32
        %parallel_loop3A_108 = arith.index_cast %parallel_loop3A_107 : i32 to index
        %parallel_loop3A_109 = tpu.vector_load %arg13[%parallel_loop3A_108] {strides = array<i32>} : memref<80xf32, #tpu.memory_space<vmem>>, vector<16xf32>,
        %parallel_loop3A_110 = arith.constant 0 : i32
        %parallel_loop3A_111 = arith.constant 16 : i32
        %parallel_loop3A_112 = arith.constant 1 : i32
        scf.for %parallel_loop3A_113 = %parallel_loop3A_110 to %parallel_loop3A_111 step %parallel_loop3A_112  : i32 {
          %parallel_loop3A_114 = vector.broadcast %parallel_loop3A_113 : i32 to vector<16x1xi32>
          %parallel_loop3A_115 = vector.shape_cast %parallel_loop3A_114 : vector<16x1xi32> to vector<16xi32>
          %parallel_loop3A_116 = tpu.dynamic_gather %parallel_loop3A_109[%parallel_loop3A_115] in [0] : vector<16xf32>, vector<16xi32> -> vector<16xf32>
          %parallel_loop3A_117 = arith.constant 16 : i32
          %parallel_loop3A_118 = arith.muli %parallel_loop3A_105, %parallel_loop3A_117 : i32
          %parallel_loop3A_119 = arith.addi %parallel_loop3A_118, %parallel_loop3A_113 : i32
          %parallel_loop3A_120 = arith.index_cast %parallel_loop3A_119 : i32 to index
          %parallel_loop3A_121 = arith.constant 0 : index
          %parallel_loop3A_122 = tpu.vector_load %arg15[%parallel_loop3A_120, %parallel_loop3A_121] {strides = array<i32>} : memref<80x80xf32, #tpu.memory_space<vmem>>, vector<16xf32>,
          %parallel_loop3A_123 = arith.mulf %parallel_loop3A_122, %parallel_loop3A_116 : vector<16xf32>
          %parallel_loop3A_124 = arith.index_cast %parallel_loop3A_119 : i32 to index
          %parallel_loop3A_125 = arith.constant 0 : index
          %parallel_loop3A_126 = tpu.vector_load %arg15[%parallel_loop3A_124, %parallel_loop3A_125] {strides = array<i32>} : memref<80x80xf32, #tpu.memory_space<vmem>>, vector<16xf32>,
          tpu.vector_store %arg15[%parallel_loop3A_124, %parallel_loop3A_125], %parallel_loop3A_123 {strides = array<i32>} : memref<80x80xf32, #tpu.memory_space<vmem>>, vector<16xf32>,
          %parallel_loop3A_127 = arith.index_cast %parallel_loop3A_119 : i32 to index
          %parallel_loop3A_128 = arith.constant 16 : index
          %parallel_loop3A_129 = tpu.vector_load %arg15[%parallel_loop3A_127, %parallel_loop3A_128] {strides = array<i32>} : memref<80x80xf32, #tpu.memory_space<vmem>>, vector<16xf32>,
          %parallel_loop3A_130 = arith.mulf %parallel_loop3A_129, %parallel_loop3A_116 : vector<16xf32>
          %parallel_loop3A_131 = arith.index_cast %parallel_loop3A_119 : i32 to index
          %parallel_loop3A_132 = arith.constant 16 : index
          %parallel_loop3A_133 = tpu.vector_load %arg15[%parallel_loop3A_131, %parallel_loop3A_132] {strides = array<i32>} : memref<80x80xf32, #tpu.memory_space<vmem>>, vector<16xf32>,
          tpu.vector_store %arg15[%parallel_loop3A_131, %parallel_loop3A_132], %parallel_loop3A_130 {strides = array<i32>} : memref<80x80xf32, #tpu.memory_space<vmem>>, vector<16xf32>,
          %parallel_loop3A_134 = arith.index_cast %parallel_loop3A_119 : i32 to index
          %parallel_loop3A_135 = arith.constant 32 : index
          %parallel_loop3A_136 = tpu.vector_load %arg15[%parallel_loop3A_134, %parallel_loop3A_135] {strides = array<i32>} : memref<80x80xf32, #tpu.memory_space<vmem>>, vector<16xf32>,
          %parallel_loop3A_137 = arith.mulf %parallel_loop3A_136, %parallel_loop3A_116 : vector<16xf32>
          %parallel_loop3A_138 = arith.index_cast %parallel_loop3A_119 : i32 to index
          %parallel_loop3A_139 = arith.constant 32 : index
          %parallel_loop3A_140 = tpu.vector_load %arg15[%parallel_loop3A_138, %parallel_loop3A_139] {strides = array<i32>} : memref<80x80xf32, #tpu.memory_space<vmem>>, vector<16xf32>,
          tpu.vector_store %arg15[%parallel_loop3A_138, %parallel_loop3A_139], %parallel_loop3A_137 {strides = array<i32>} : memref<80x80xf32, #tpu.memory_space<vmem>>, vector<16xf32>,
          %parallel_loop3A_141 = arith.index_cast %parallel_loop3A_119 : i32 to index
          %parallel_loop3A_142 = arith.constant 48 : index
          %parallel_loop3A_143 = tpu.vector_load %arg15[%parallel_loop3A_141, %parallel_loop3A_142] {strides = array<i32>} : memref<80x80xf32, #tpu.memory_space<vmem>>, vector<16xf32>,
          %parallel_loop3A_144 = arith.mulf %parallel_loop3A_143, %parallel_loop3A_116 : vector<16xf32>
          %parallel_loop3A_145 = arith.index_cast %parallel_loop3A_119 : i32 to index
          %parallel_loop3A_146 = arith.constant 48 : index
          %parallel_loop3A_147 = tpu.vector_load %arg15[%parallel_loop3A_145, %parallel_loop3A_146] {strides = array<i32>} : memref<80x80xf32, #tpu.memory_space<vmem>>, vector<16xf32>,
          tpu.vector_store %arg15[%parallel_loop3A_145, %parallel_loop3A_146], %parallel_loop3A_144 {strides = array<i32>} : memref<80x80xf32, #tpu.memory_space<vmem>>, vector<16xf32>,
          %parallel_loop3A_148 = arith.index_cast %parallel_loop3A_119 : i32 to index
          %parallel_loop3A_149 = arith.constant 64 : index
          %parallel_loop3A_150 = tpu.vector_load %arg15[%parallel_loop3A_148, %parallel_loop3A_149] {strides = array<i32>} : memref<80x80xf32, #tpu.memory_space<vmem>>, vector<16xf32>,
          %parallel_loop3A_151 = arith.mulf %parallel_loop3A_150, %parallel_loop3A_116 : vector<16xf32>
          %parallel_loop3A_152 = arith.index_cast %parallel_loop3A_119 : i32 to index
          %parallel_loop3A_153 = arith.constant 64 : index
          %parallel_loop3A_154 = tpu.vector_load %arg15[%parallel_loop3A_152, %parallel_loop3A_153] {strides = array<i32>} : memref<80x80xf32, #tpu.memory_space<vmem>>, vector<16xf32>,
          tpu.vector_store %arg15[%parallel_loop3A_152, %parallel_loop3A_153], %parallel_loop3A_151 {strides = array<i32>} : memref<80x80xf32, #tpu.memory_space<vmem>>, vector<16xf32>,
        } {sc.loop_unroll_factor = 1 : i64, sc.parallel_access}
      } {sc.loop_unroll_factor = 1 : i64, sc.parallel_access}
      %dma_start3A_85 = arith.constant 0 : i32
      %dma_start3A_86 = tpu.memref_slice %arg12[%add3A_38, %dma_start3A_85] : memref<250x80xi32, #tpu.memory_space<vmem>> -> memref<1x80xi32, #tpu.memory_space<vmem>>
      %dma_start3A_87 = tpu.memref_squeeze %dma_start3A_86 : memref<1x80xi32, #tpu.memory_space<vmem>> -> memref<80xi32, #tpu.memory_space<vmem>>
      %dma_start3A_88 = arith.constant 0 : i32
      %dma_start3A_89 = arith.constant 0 : i32
      %dma_start3A_90 = tpu.memref_slice %arg22[%dma_start3A_88, %dma_start3A_89] : memref<10000x80xf32, #tpu.memory_space<vmem_shared>> -> memref<10000x80xf32, #tpu.memory_space<vmem_shared>>
      tpu.enqueue_indirect_dma source(%arg15 : memref<80x80xf32, #tpu.memory_space<vmem>>) target(%dma_start3A_90 : memref<10000x80xf32, #tpu.memory_space<vmem_shared>>) offsets(%dma_start3A_87 : memref<80xi32, #tpu.memory_space<vmem>>) semaphore(%arg21 : memref<!tpu.dma_semaphore, #tpu.memory_space<semaphore_mem>>) {add = true}
      %dma_wait3A_91 = arith.constant 0 : i32
      %dma_wait3A_92 = tpu.memref_slice %arg12[%mul3A_36, %dma_wait3A_91] : memref<250x80xi32, #tpu.memory_space<vmem>> -> memref<1x80xi32, #tpu.memory_space<vmem>>
      %dma_wait3A_93 = tpu.memref_squeeze %dma_wait3A_92 : memref<1x80xi32, #tpu.memory_space<vmem>> -> memref<80xi32, #tpu.memory_space<vmem>>
      %dma_wait3A_94 = arith.constant 0 : i32
      %dma_wait3A_95 = arith.constant 0 : i32
      %dma_wait3A_96 = tpu.memref_slice %arg22[%dma_wait3A_94, %dma_wait3A_95] : memref<10000x80xf32, #tpu.memory_space<vmem_shared>> -> memref<10000x80xf32, #tpu.memory_space<vmem_shared>>
      tpu.wait_indirect_dma semaphore(%arg20 : memref<!tpu.dma_semaphore, #tpu.memory_space<semaphore_mem>>) src(%arg14 : memref<80x80xf32, #tpu.memory_space<vmem>>) dst(%dma_wait3A_96 : memref<10000x80xf32, #tpu.memory_space<vmem_shared>>)
      %lt3A = arith.constant 124 : i32
      %lt3A_97 = arith.cmpi slt, %add3A_34, %lt3A : i32
      %convert_element_type3A = arith.extui %lt3A_97 : i1 to i32
      %cond3A = arith.constant 0 : i32
      %cond3A_98 = arith.cmpi ne, %convert_element_type3A, %cond3A : i32
      scf.if %cond3A_98 {
        %add3A_105 = arith.constant 2 : i32
        %add3A_106 = arith.addi %mul3A_36, %add3A_105 : i32
        %dma_start3A_107 = arith.constant 0 : i32
        %dma_start3A_108 = tpu.memref_slice %arg11[%add3A_106, %dma_start3A_107] : memref<250x80xi32, #tpu.memory_space<vmem>> -> memref<1x80xi32, #tpu.memory_space<vmem>>
        %dma_start3A_109 = tpu.memref_squeeze %dma_start3A_108 : memref<1x80xi32, #tpu.memory_space<vmem>> -> memref<80xi32, #tpu.memory_space<vmem>>
        %dma_start3A_110 = arith.constant 0 : i32
        %dma_start3A_111 = arith.constant 0 : i32
        %dma_start3A_112 = tpu.memref_slice %arg2[%arg0, %dma_start3A_110, %dma_start3A_111] : memref<2x10000x80xf32, #tpu.memory_space<hbm>> -> memref<1x10000x80xf32, #tpu.memory_space<hbm>>
        %dma_start3A_113 = tpu.memref_squeeze %dma_start3A_112 : memref<1x10000x80xf32, #tpu.memory_space<hbm>> -> memref<10000x80xf32, #tpu.memory_space<hbm>>
        %dma_start3A_114 = arith.constant 0 : i32
        %dma_start3A_115 = arith.constant 0 : i32
        %dma_start3A_116 = tpu.memref_slice %dma_start3A_113[%dma_start3A_114, %dma_start3A_115] : memref<10000x80xf32, #tpu.memory_space<hbm>> -> memref<10000x80xf32, #tpu.memory_space<hbm>>
        tpu.enqueue_indirect_dma source(%dma_start3A_116 : memref<10000x80xf32, #tpu.memory_space<hbm>>) target(%arg14 : memref<80x80xf32, #tpu.memory_space<vmem>>) offsets(%dma_start3A_109 : memref<80xi32, #tpu.memory_space<vmem>>) semaphore(%arg18 : memref<!tpu.dma_semaphore, #tpu.memory_space<semaphore_mem>>)
      } else {
      }
      %dma_wait3A_99 = arith.constant 0 : i32
      %dma_wait3A_100 = tpu.memref_slice %arg12[%add3A_38, %dma_wait3A_99] : memref<250x80xi32, #tpu.memory_space<vmem>> -> memref<1x80xi32, #tpu.memory_space<vmem>>
      %dma_wait3A_101 = tpu.memref_squeeze %dma_wait3A_100 : memref<1x80xi32, #tpu.memory_space<vmem>> -> memref<80xi32, #tpu.memory_space<vmem>>
      %dma_wait3A_102 = arith.constant 0 : i32
      %dma_wait3A_103 = arith.constant 0 : i32
      %dma_wait3A_104 = tpu.memref_slice %arg22[%dma_wait3A_102, %dma_wait3A_103] : memref<10000x80xf32, #tpu.memory_space<vmem_shared>> -> memref<10000x80xf32, #tpu.memory_space<vmem_shared>>
      tpu.wait_indirect_dma semaphore(%arg21 : memref<!tpu.dma_semaphore, #tpu.memory_space<semaphore_mem>>) src(%arg15 : memref<80x80xf32, #tpu.memory_space<vmem>>) dst(%dma_wait3A_104 : memref<10000x80xf32, #tpu.memory_space<vmem_shared>>)
    }
    %scan3A_25 = arith.constant 125 : i32
    %barrier3A_26 = arith.constant 0 : index
    tpu.barrier barrier_id(%barrier3A_26)
    %scan3A_27 = arith.constant 0 : i32
    %scan3A_28 = arith.constant 5 : i32
    %scan3A_29 = arith.addi %scan3A_27, %scan3A_28 : i32
    %scan3A_30 = arith.constant 1 : i32
    scf.for %scan3A_32 = %scan3A_27 to %scan3A_29 step %scan3A_30  : i32 {
      %mul3A = arith.constant 1 : i32
      %mul3A_33 = arith.muli %scan3A_32, %mul3A : i32
      %add3A = arith.constant 0 : i32
      %add3A_34 = arith.addi %add3A, %mul3A_33 : i32
      %mul3A_35 = arith.constant 625 : i32
      %mul3A_36 = arith.muli %arg1, %mul3A_35 : i32
      %mul3A_37 = arith.constant 125 : i32
      %mul3A_38 = arith.muli %add3A_34, %mul3A_37 : i32
      %add3A_39 = arith.addi %mul3A_36, %mul3A_38 : i32
      "tpu.region"() ({
        %run_scoped3A_40 = tpu.sem_alloc : memref<!tpu.dma_semaphore, #tpu.memory_space<semaphore_mem>>
        %dma_start3A_41 = arith.constant 0 : i32
        %dma_start3A_42 = tpu.memref_slice %arg8[%arg0, %add3A_39, %dma_start3A_41] : memref<2x10000x80xf32, #tpu.memory_space<hbm>> -> memref<1x125x80xf32, #tpu.memory_space<hbm>>
        %dma_start3A_43 = tpu.memref_squeeze %dma_start3A_42 : memref<1x125x80xf32, #tpu.memory_space<hbm>> -> memref<125x80xf32, #tpu.memory_space<hbm>>
        %dma_start3A_44 = arith.constant 0 : i32
        %dma_start3A_45 = tpu.memref_slice %arg22[%add3A_39, %dma_start3A_44] : memref<10000x80xf32, #tpu.memory_space<vmem_shared>> -> memref<125x80xf32, #tpu.memory_space<vmem_shared>>
        tpu.enqueue_dma source(%dma_start3A_45 : memref<125x80xf32, #tpu.memory_space<vmem_shared>>) target(%dma_start3A_43 : memref<125x80xf32, #tpu.memory_space<hbm>>) target_semaphore(%run_scoped3A_40 : memref<!tpu.dma_semaphore, #tpu.memory_space<semaphore_mem>>)
        %dma_wait3A = arith.constant 0 : i32
        %dma_wait3A_46 = tpu.memref_slice %arg8[%arg0, %add3A_39, %dma_wait3A] : memref<2x10000x80xf32, #tpu.memory_space<hbm>> -> memref<1x125x80xf32, #tpu.memory_space<hbm>>
        %dma_wait3A_47 = tpu.memref_squeeze %dma_wait3A_46 : memref<1x125x80xf32, #tpu.memory_space<hbm>> -> memref<125x80xf32, #tpu.memory_space<hbm>>
        %dma_wait3A_48 = arith.constant 0 : i32
        %dma_wait3A_49 = tpu.memref_slice %arg22[%add3A_39, %dma_wait3A_48] : memref<10000x80xf32, #tpu.memory_space<vmem_shared>> -> memref<125x80xf32, #tpu.memory_space<vmem_shared>>
        tpu.wait_dma2 semaphore(%run_scoped3A_40 : memref<!tpu.dma_semaphore, #tpu.memory_space<semaphore_mem>>) src(%dma_wait3A_49 : memref<125x80xf32, #tpu.memory_space<vmem_shared>>) dst(%dma_wait3A_47 : memref<125x80xf32, #tpu.memory_space<hbm>>)
        tpu.yield
      }) : () -> ()
    }
    %scan3A_31 = arith.constant 5 : i32
    return
  }
}

module attributes {stable_mosaic.version = 14 : i64} {
  func.func @_prep_body(%arg0: i32, %arg1: memref<1000x128xf32, #tpu.memory_space<vmem>>, %arg2: memref<1x128xf32, #tpu.memory_space<vmem>>, %arg3: memref<1x128xf32, #tpu.memory_space<vmem>>, %arg4: memref<1000x1xf32, #tpu.memory_space<vmem>>, %arg5: memref<1000x1xf32, #tpu.memory_space<vmem>>, %arg6: memref<1x128xf32, #tpu.memory_space<vmem>>, %arg7: memref<2x1000x80xf32, #tpu.memory_space<vmem>>, %arg8: memref<2xf32, #tpu.memory_space<smem>>) attributes {dimension_semantics = [#tpu.dimension_semantics<arbitrary>], iteration_bounds = array<i64: 10>, scalar_prefetch = 0 : i64, scratch_operands = 1 : i64, tpu.core_type = #tpu.core_type<tc>, window_params = [{transform_indices = @transform_0, window_bounds = array<i64: 1000, 128>}, {pipeline_mode = #tpu.pipeline_mode<synchronous>, transform_indices = @transform_1, window_bounds = array<i64: 1, 128>}, {pipeline_mode = #tpu.pipeline_mode<synchronous>, transform_indices = @transform_2, window_bounds = array<i64: 1, 128>}, {transform_indices = @transform_3, window_bounds = array<i64: 1000, 1>}, {transform_indices = @transform_4, window_bounds = array<i64: 1000, 1>}, {pipeline_mode = #tpu.pipeline_mode<synchronous>, transform_indices = @transform_5, window_bounds = array<i64: 1, 128>}, {transform_indices = @transform_6, window_bounds = array<i64: 2, 1000, 80>}]} {
    %get3A = arith.constant 0 : index
    %get3A_0 = arith.constant 0 : index
    %get3A_1 = vector.load %arg1[%get3A, %get3A_0] : memref<1000x128xf32, #tpu.memory_space<vmem>>, vector<1000x128xf32>
    %get3A_2 = arith.constant 0 : index
    %get3A_3 = arith.constant 0 : index
    %get3A_4 = vector.load %arg2[%get3A_2, %get3A_3] : memref<1x128xf32, #tpu.memory_space<vmem>>, vector<1x128xf32>
    %mul3A = vector.broadcast %get3A_4 : vector<1x128xf32> to vector<1000x128xf32>
    %mul3A_5 = arith.mulf %get3A_1, %mul3A : vector<1000x128xf32>
    %reduce_sum3A = arith.constant dense<0.000000e+00> : vector<1000xf32>
    %reduce_sum3A_6 = vector.multi_reduction <add>, %mul3A_5, %reduce_sum3A [1] : vector<1000x128xf32> to vector<1000xf32>
    %get3A_7 = arith.constant 0 : index
    %get3A_8 = arith.constant 0 : index
    %get3A_9 = vector.load %arg3[%get3A_7, %get3A_8] : memref<1x128xf32, #tpu.memory_space<vmem>>, vector<1x128xf32>
    %mul3A_10 = vector.broadcast %get3A_9 : vector<1x128xf32> to vector<1000x128xf32>
    %mul3A_11 = arith.mulf %get3A_1, %mul3A_10 : vector<1000x128xf32>
    %reduce_sum3A_12 = arith.constant dense<0.000000e+00> : vector<1000xf32>
    %reduce_sum3A_13 = vector.multi_reduction <add>, %mul3A_11, %reduce_sum3A_12 [1] : vector<1000x128xf32> to vector<1000xf32>
    %broadcast_in_dim3A = vector.shape_cast %reduce_sum3A_6 : vector<1000xf32> to vector<1000x1xf32>
    %swap3A = arith.constant 0 : index
    %swap3A_14 = arith.constant 0 : index
    %swap3A_15 = vector.load %arg4[%swap3A, %swap3A_14] : memref<1000x1xf32, #tpu.memory_space<vmem>>, vector<1000x1xf32>
    tpu.vector_store %arg4[%swap3A, %swap3A_14], %broadcast_in_dim3A {strides = array<i32>} : memref<1000x1xf32, #tpu.memory_space<vmem>>, vector<1000x1xf32>,
    %broadcast_in_dim3A_16 = vector.shape_cast %reduce_sum3A_13 : vector<1000xf32> to vector<1000x1xf32>
    %swap3A_17 = arith.constant 0 : index
    %swap3A_18 = arith.constant 0 : index
    %swap3A_19 = vector.load %arg5[%swap3A_17, %swap3A_18] : memref<1000x1xf32, #tpu.memory_space<vmem>>, vector<1000x1xf32>
    tpu.vector_store %arg5[%swap3A_17, %swap3A_18], %broadcast_in_dim3A_16 {strides = array<i32>} : memref<1000x1xf32, #tpu.memory_space<vmem>>, vector<1000x1xf32>,
    %broadcast_in_dim3A_20 = arith.constant 1.000000e+00 : f32
    %broadcast_in_dim3A_21 = vector.broadcast %broadcast_in_dim3A_20 : f32 to vector<1000x1xf32>
    %broadcast_in_dim3A_22 = arith.constant 0.000000e+00 : f32
    %broadcast_in_dim3A_23 = vector.broadcast %broadcast_in_dim3A_22 : f32 to vector<1000x15xf32>
    %slice3A = vector.extract_strided_slice %get3A_1 {offsets = [0, 0], sizes = [1000, 64], strides = [1, 1]} : vector<1000x128xf32> to vector<1000x64xf32>
    %concatenate3A = tpu.concatenate %slice3A, %broadcast_in_dim3A_21, %broadcast_in_dim3A_23 in 1 : vector<1000x64xf32>, vector<1000x1xf32>, vector<1000x15xf32> -> vector<1000x80xf32>
    %swap3A_24 = arith.constant 0 : index
    %swap3A_25 = arith.constant 0 : index
    %swap3A_26 = arith.constant 0 : index
    %swap3A_27 = vector.load %arg7[%swap3A_24, %swap3A_25, %swap3A_26] : memref<2x1000x80xf32, #tpu.memory_space<vmem>>, vector<1x1000x80xf32>
    %swap3A_28 = vector.shape_cast %swap3A_27 : vector<1x1000x80xf32> to vector<1000x80xf32>
    %swap3A_29 = vector.shape_cast %concatenate3A : vector<1000x80xf32> to vector<1x1000x80xf32>
    tpu.vector_store %arg7[%swap3A_24, %swap3A_25, %swap3A_26], %swap3A_29 {strides = array<i32>} : memref<2x1000x80xf32, #tpu.memory_space<vmem>>, vector<1x1000x80xf32>,
    %slice3A_30 = vector.extract_strided_slice %get3A_1 {offsets = [0, 64], sizes = [1000, 64], strides = [1, 1]} : vector<1000x128xf32> to vector<1000x64xf32>
    %concatenate3A_31 = tpu.concatenate %slice3A_30, %broadcast_in_dim3A_21, %broadcast_in_dim3A_23 in 1 : vector<1000x64xf32>, vector<1000x1xf32>, vector<1000x15xf32> -> vector<1000x80xf32>
    %swap3A_32 = arith.constant 1 : index
    %swap3A_33 = arith.constant 0 : index
    %swap3A_34 = arith.constant 0 : index
    %swap3A_35 = vector.load %arg7[%swap3A_32, %swap3A_33, %swap3A_34] : memref<2x1000x80xf32, #tpu.memory_space<vmem>>, vector<1x1000x80xf32>
    %swap3A_36 = vector.shape_cast %swap3A_35 : vector<1x1000x80xf32> to vector<1000x80xf32>
    %swap3A_37 = vector.shape_cast %concatenate3A_31 : vector<1000x80xf32> to vector<1x1000x80xf32>
    tpu.vector_store %arg7[%swap3A_32, %swap3A_33, %swap3A_34], %swap3A_37 {strides = array<i32>} : memref<2x1000x80xf32, #tpu.memory_space<vmem>>, vector<1x1000x80xf32>,
    %reduce_max3A = vector.shape_cast %reduce_sum3A_6 : vector<1000xf32> to vector<1x1000xf32>
    %reduce_max3A_38 = arith.constant dense<0xFF800000> : vector<1xf32>
    %reduce_max3A_39 = vector.multi_reduction <maximumf>, %reduce_max3A, %reduce_max3A_38 [1] : vector<1x1000xf32> to vector<1xf32>
    %reduce_max3A_40 = vector.shape_cast %reduce_max3A_39 : vector<1xf32> to vector<1x1xf32>
    %reduce_max3A_41 = vector.extract %reduce_max3A_40[0, 0] : f32 from vector<1x1xf32>
    %reduce_max3A_42 = vector.shape_cast %reduce_sum3A_13 : vector<1000xf32> to vector<1x1000xf32>
    %reduce_max3A_43 = arith.constant dense<0xFF800000> : vector<1xf32>
    %reduce_max3A_44 = vector.multi_reduction <maximumf>, %reduce_max3A_42, %reduce_max3A_43 [1] : vector<1x1000xf32> to vector<1xf32>
    %reduce_max3A_45 = vector.shape_cast %reduce_max3A_44 : vector<1xf32> to vector<1x1xf32>
    %reduce_max3A_46 = vector.extract %reduce_max3A_45[0, 0] : f32 from vector<1x1xf32>
    %eq3A = arith.constant 0 : i32
    %eq3A_47 = arith.cmpi eq, %arg0, %eq3A : i32
    %convert_element_type3A = arith.extui %eq3A_47 : i1 to i32
    %cond3A = arith.constant 0 : i32
    %cond3A_48 = arith.cmpi ne, %convert_element_type3A, %cond3A : i32
    scf.if %cond3A_48 {
      %swap3A_65 = arith.constant 0 : index
      %swap3A_66 = memref.load %arg8[%swap3A_65] : memref<2xf32, #tpu.memory_space<smem>>
      memref.store %reduce_max3A_41, %arg8[%swap3A_65] : memref<2xf32, #tpu.memory_space<smem>>
      %swap3A_67 = arith.constant 1 : index
      %swap3A_68 = memref.load %arg8[%swap3A_67] : memref<2xf32, #tpu.memory_space<smem>>
      memref.store %reduce_max3A_46, %arg8[%swap3A_67] : memref<2xf32, #tpu.memory_space<smem>>
    } else {
    }
    %gt3A = arith.constant 0 : i32
    %gt3A_49 = arith.cmpi sgt, %arg0, %gt3A : i32
    %convert_element_type3A_50 = arith.extui %gt3A_49 : i1 to i32
    %cond3A_51 = arith.constant 0 : i32
    %cond3A_52 = arith.cmpi ne, %convert_element_type3A_50, %cond3A_51 : i32
    scf.if %cond3A_52 {
      %get3A_65 = arith.constant 0 : index
      %get3A_66 = memref.load %arg8[%get3A_65] : memref<2xf32, #tpu.memory_space<smem>>
      %max3A = arith.maximumf %get3A_66, %reduce_max3A_41 : f32
      %swap3A_67 = arith.constant 0 : index
      %swap3A_68 = memref.load %arg8[%swap3A_67] : memref<2xf32, #tpu.memory_space<smem>>
      memref.store %max3A, %arg8[%swap3A_67] : memref<2xf32, #tpu.memory_space<smem>>
      %get3A_69 = arith.constant 1 : index
      %get3A_70 = memref.load %arg8[%get3A_69] : memref<2xf32, #tpu.memory_space<smem>>
      %max3A_71 = arith.maximumf %get3A_70, %reduce_max3A_46 : f32
      %swap3A_72 = arith.constant 1 : index
      %swap3A_73 = memref.load %arg8[%swap3A_72] : memref<2xf32, #tpu.memory_space<smem>>
      memref.store %max3A_71, %arg8[%swap3A_72] : memref<2xf32, #tpu.memory_space<smem>>
    } else {
    }
    %get3A_53 = arith.constant 0 : index
    %get3A_54 = memref.load %arg8[%get3A_53] : memref<2xf32, #tpu.memory_space<smem>>
    %get3A_55 = arith.constant 1 : index
    %get3A_56 = memref.load %arg8[%get3A_55] : memref<2xf32, #tpu.memory_space<smem>>
    %add3A = arith.addf %get3A_54, %get3A_56 : f32
    %gt3A_57 = arith.constant 0.000000e+00 : f32
    %gt3A_58 = arith.cmpf ogt, %add3A, %gt3A_57 : f32
    %mul3A_59 = arith.constant 2.000000e-01 : f32
    %mul3A_60 = arith.mulf %mul3A_59, %add3A : f32
    %select_n3A = arith.select %gt3A_58, %add3A, %mul3A_60 : f32
    %broadcast_in_dim3A_61 = vector.broadcast %select_n3A : f32 to vector<1x128xf32>
    %swap3A_62 = arith.constant 0 : index
    %swap3A_63 = arith.constant 0 : index
    %swap3A_64 = vector.load %arg6[%swap3A_62, %swap3A_63] : memref<1x128xf32, #tpu.memory_space<vmem>>, vector<1x128xf32>
    tpu.vector_store %arg6[%swap3A_62, %swap3A_63], %broadcast_in_dim3A_61 {strides = array<i32>} : memref<1x128xf32, #tpu.memory_space<vmem>>, vector<1x128xf32>,
    return
  }
  func.func @transform_0(%arg0: i32) -> (i32, i32) {
    %c0_i32 = arith.constant 0 : i32
    %c0_i32_0 = arith.constant 0 : i32
    return %arg0, %c0_i32 : i32, i32
  }
  func.func @transform_1(%arg0: i32) -> (i32, i32) {
    %c0_i32 = arith.constant 0 : i32
    %c0_i32_0 = arith.constant 0 : i32
    %c0_i32_1 = arith.constant 0 : i32
    return %c0_i32, %c0_i32_0 : i32, i32
  }
  func.func @transform_2(%arg0: i32) -> (i32, i32) {
    %c0_i32 = arith.constant 0 : i32
    %c0_i32_0 = arith.constant 0 : i32
    %c0_i32_1 = arith.constant 0 : i32
    return %c0_i32, %c0_i32_0 : i32, i32
  }
  func.func @transform_3(%arg0: i32) -> (i32, i32) {
    %c0_i32 = arith.constant 0 : i32
    %c0_i32_0 = arith.constant 0 : i32
    return %arg0, %c0_i32 : i32, i32
  }
  func.func @transform_4(%arg0: i32) -> (i32, i32) {
    %c0_i32 = arith.constant 0 : i32
    %c0_i32_0 = arith.constant 0 : i32
    return %arg0, %c0_i32 : i32, i32
  }
  func.func @transform_5(%arg0: i32) -> (i32, i32) {
    %c0_i32 = arith.constant 0 : i32
    %c0_i32_0 = arith.constant 0 : i32
    %c0_i32_1 = arith.constant 0 : i32
    return %c0_i32, %c0_i32_0 : i32, i32
  }
  func.func @transform_6(%arg0: i32) -> (i32, i32, i32) {
    %c0_i32 = arith.constant 0 : i32
    %c0_i32_0 = arith.constant 0 : i32
    %c0_i32_1 = arith.constant 0 : i32
    return %c0_i32, %arg0, %c0_i32_0 : i32, i32, i32
  }
}

module attributes {stable_mosaic.version = 14 : i64} {
  func.func @_final_body(%arg0: i32, %arg1: memref<1000x80xf32, #tpu.memory_space<vmem>>, %arg2: memref<1000x80xf32, #tpu.memory_space<vmem>>, %arg3: memref<1000x128xf32, #tpu.memory_space<vmem>>, %arg4: memref<128x128xf32, #tpu.memory_space<vmem>>, %arg5: memref<1x128xf32, #tpu.memory_space<vmem>>, %arg6: memref<1x128xf32, #tpu.memory_space<vmem>>, %arg7: memref<1x128xf32, #tpu.memory_space<vmem>>, %arg8: memref<1000x128xf32, #tpu.memory_space<vmem>>) attributes {dimension_semantics = [#tpu.dimension_semantics<arbitrary>], iteration_bounds = array<i64: 10>, scalar_prefetch = 0 : i64, scratch_operands = 0 : i64, tpu.core_type = #tpu.core_type<tc>, window_params = [{transform_indices = @transform_0, window_bounds = array<i64: 1000, 80>}, {transform_indices = @transform_1, window_bounds = array<i64: 1000, 80>}, {transform_indices = @transform_2, window_bounds = array<i64: 1000, 128>}, {pipeline_mode = #tpu.pipeline_mode<synchronous>, transform_indices = @transform_3, window_bounds = array<i64: 128, 128>}, {pipeline_mode = #tpu.pipeline_mode<synchronous>, transform_indices = @transform_4, window_bounds = array<i64: 1, 128>}, {pipeline_mode = #tpu.pipeline_mode<synchronous>, transform_indices = @transform_5, window_bounds = array<i64: 1, 128>}, {pipeline_mode = #tpu.pipeline_mode<synchronous>, transform_indices = @transform_6, window_bounds = array<i64: 1, 128>}, {transform_indices = @transform_7, window_bounds = array<i64: 1000, 128>}]} {
    %get3A = arith.constant 0 : index
    %get3A_0 = arith.constant 0 : index
    %get3A_1 = vector.load %arg1[%get3A, %get3A_0] : memref<1000x80xf32, #tpu.memory_space<vmem>>, vector<1000x80xf32>
    %get3A_2 = arith.constant 0 : index
    %get3A_3 = arith.constant 0 : index
    %get3A_4 = vector.load %arg2[%get3A_2, %get3A_3] : memref<1000x80xf32, #tpu.memory_space<vmem>>, vector<1000x80xf32>
    %get3A_5 = arith.constant 0 : index
    %get3A_6 = arith.constant 0 : index
    %get3A_7 = vector.load %arg7[%get3A_5, %get3A_6] : memref<1x128xf32, #tpu.memory_space<vmem>>, vector<1x1xf32>
    %neg3A = arith.constant 0.000000e+00 : f32
    %neg3A_8 = vector.broadcast %neg3A : f32 to vector<1x1xf32>
    %neg3A_9 = arith.subf %neg3A_8, %get3A_7 : vector<1x1xf32>
    %exp3A = math.exp %neg3A_9 : vector<1x1xf32>
    %mul3A = arith.constant 9.99999971E-10 : f32
    %mul3A_10 = vector.broadcast %mul3A : f32 to vector<1x1xf32>
    %mul3A_11 = arith.mulf %mul3A_10, %exp3A : vector<1x1xf32>
    %slice3A = vector.extract_strided_slice %get3A_1 {offsets = [0, 64], sizes = [1000, 16], strides = [1, 1]} : vector<1000x80xf32> to vector<1000x16xf32>
    %reduce_sum3A = arith.constant dense<0.000000e+00> : vector<1000xf32>
    %reduce_sum3A_12 = vector.multi_reduction <add>, %slice3A, %reduce_sum3A [1] : vector<1000x16xf32> to vector<1000xf32>
    %broadcast_in_dim3A = vector.shape_cast %reduce_sum3A_12 : vector<1000xf32> to vector<1000x1xf32>
    %add3A = vector.broadcast %mul3A_11 : vector<1x1xf32> to vector<1000x1xf32>
    %add3A_13 = arith.addf %broadcast_in_dim3A, %add3A : vector<1000x1xf32>
    %slice3A_14 = vector.extract_strided_slice %get3A_4 {offsets = [0, 64], sizes = [1000, 16], strides = [1, 1]} : vector<1000x80xf32> to vector<1000x16xf32>
    %reduce_sum3A_15 = arith.constant dense<0.000000e+00> : vector<1000xf32>
    %reduce_sum3A_16 = vector.multi_reduction <add>, %slice3A_14, %reduce_sum3A_15 [1] : vector<1000x16xf32> to vector<1000xf32>
    %broadcast_in_dim3A_17 = vector.shape_cast %reduce_sum3A_16 : vector<1000xf32> to vector<1000x1xf32>
    %add3A_18 = vector.broadcast %mul3A_11 : vector<1x1xf32> to vector<1000x1xf32>
    %add3A_19 = arith.addf %broadcast_in_dim3A_17, %add3A_18 : vector<1000x1xf32>
    %slice3A_20 = vector.extract_strided_slice %get3A_1 {offsets = [0, 0], sizes = [1000, 64], strides = [1, 1]} : vector<1000x80xf32> to vector<1000x64xf32>
    %div3A = vector.broadcast %add3A_13 : vector<1000x1xf32> to vector<1000x64xf32>
    %div3A_21 = arith.divf %slice3A_20, %div3A : vector<1000x64xf32>
    %slice3A_22 = vector.extract_strided_slice %get3A_4 {offsets = [0, 0], sizes = [1000, 64], strides = [1, 1]} : vector<1000x80xf32> to vector<1000x64xf32>
    %div3A_23 = vector.broadcast %add3A_19 : vector<1000x1xf32> to vector<1000x64xf32>
    %div3A_24 = arith.divf %slice3A_22, %div3A_23 : vector<1000x64xf32>
    %concatenate3A = tpu.concatenate %div3A_21, %div3A_24 in 1 : vector<1000x64xf32>, vector<1000x64xf32> -> vector<1000x128xf32>
    %get3A_25 = arith.constant 0 : index
    %get3A_26 = arith.constant 0 : index
    %get3A_27 = vector.load %arg3[%get3A_25, %get3A_26] : memref<1000x128xf32, #tpu.memory_space<vmem>>, vector<1000x128xf32>
    %get3A_28 = arith.constant 0 : index
    %get3A_29 = arith.constant 0 : index
    %get3A_30 = vector.load %arg6[%get3A_28, %get3A_29] : memref<1x128xf32, #tpu.memory_space<vmem>>, vector<1x128xf32>
    %mul3A_31 = vector.broadcast %get3A_30 : vector<1x128xf32> to vector<1000x128xf32>
    %mul3A_32 = arith.mulf %get3A_27, %mul3A_31 : vector<1000x128xf32>
    %add3A_33 = arith.addf %mul3A_32, %concatenate3A : vector<1000x128xf32>
    %get3A_34 = arith.constant 0 : index
    %get3A_35 = arith.constant 0 : index
    %get3A_36 = vector.load %arg4[%get3A_34, %get3A_35] : memref<128x128xf32, #tpu.memory_space<vmem>>, vector<128x128xf32>
    %dot_general3A = arith.constant dense<0.000000e+00> : vector<1000x128xf32>
    %dot_general3A_37 = tpu.matmul %add3A_33, %get3A_36, %dot_general3A {dimension_numbers = #tpu.dot_dimension_numbers<[1], [0], [0], [1], [0, 0, 1, 1], [], []>, precision = #tpu.contract_precision<fp32>, transpose_lhs_hint = false} : vector<1000x128xf32>, vector<128x128xf32>, vector<1000x128xf32> -> vector<1000x128xf32>
    %get3A_38 = arith.constant 0 : index
    %get3A_39 = arith.constant 0 : index
    %get3A_40 = vector.load %arg5[%get3A_38, %get3A_39] : memref<1x128xf32, #tpu.memory_space<vmem>>, vector<1x128xf32>
    %add3A_41 = vector.broadcast %get3A_40 : vector<1x128xf32> to vector<1000x128xf32>
    %add3A_42 = arith.addf %dot_general3A_37, %add3A_41 : vector<1000x128xf32>
    %gt3A = arith.constant 0.000000e+00 : f32
    %gt3A_43 = vector.broadcast %gt3A : f32 to vector<1000x128xf32>
    %gt3A_44 = arith.cmpf ogt, %add3A_42, %gt3A_43 : vector<1000x128xf32>
    %min3A = arith.constant 0.000000e+00 : f32
    %min3A_45 = vector.broadcast %min3A : f32 to vector<1000x128xf32>
    %min3A_46 = arith.minimumf %add3A_42, %min3A_45 : vector<1000x128xf32>
    %exp3A_47 = math.exp %min3A_46 : vector<1000x128xf32>
    %sub3A = arith.constant 1.000000e+00 : f32
    %sub3A_48 = vector.broadcast %sub3A : f32 to vector<1000x128xf32>
    %sub3A_49 = arith.subf %exp3A_47, %sub3A_48 : vector<1000x128xf32>
    %select_n3A = arith.select %gt3A_44, %add3A_42, %sub3A_49 : vector<1000x128xi1>, vector<1000x128xf32>
    %swap3A = arith.constant 0 : index
    %swap3A_50 = arith.constant 0 : index
    %swap3A_51 = vector.load %arg8[%swap3A, %swap3A_50] : memref<1000x128xf32, #tpu.memory_space<vmem>>, vector<1000x128xf32>
    tpu.vector_store %arg8[%swap3A, %swap3A_50], %select_n3A {strides = array<i32>} : memref<1000x128xf32, #tpu.memory_space<vmem>>, vector<1000x128xf32>,
    return
  }
  func.func @transform_0(%arg0: i32) -> (i32, i32) {
    %c0_i32 = arith.constant 0 : i32
    %c0_i32_0 = arith.constant 0 : i32
    return %arg0, %c0_i32 : i32, i32
  }
  func.func @transform_1(%arg0: i32) -> (i32, i32) {
    %c0_i32 = arith.constant 0 : i32
    %c0_i32_0 = arith.constant 0 : i32
    return %arg0, %c0_i32 : i32, i32
  }
  func.func @transform_2(%arg0: i32) -> (i32, i32) {
    %c0_i32 = arith.constant 0 : i32
    %c0_i32_0 = arith.constant 0 : i32
    return %arg0, %c0_i32 : i32, i32
  }
  func.func @transform_3(%arg0: i32) -> (i32, i32) {
    %c0_i32 = arith.constant 0 : i32
    %c0_i32_0 = arith.constant 0 : i32
    %c0_i32_1 = arith.constant 0 : i32
    return %c0_i32, %c0_i32_0 : i32, i32
  }
  func.func @transform_4(%arg0: i32) -> (i32, i32) {
    %c0_i32 = arith.constant 0 : i32
    %c0_i32_0 = arith.constant 0 : i32
    %c0_i32_1 = arith.constant 0 : i32
    return %c0_i32, %c0_i32_0 : i32, i32
  }
  func.func @transform_5(%arg0: i32) -> (i32, i32) {
    %c0_i32 = arith.constant 0 : i32
    %c0_i32_0 = arith.constant 0 : i32
    %c0_i32_1 = arith.constant 0 : i32
    return %c0_i32, %c0_i32_0 : i32, i32
  }
  func.func @transform_6(%arg0: i32) -> (i32, i32) {
    %c0_i32 = arith.constant 0 : i32
    %c0_i32_0 = arith.constant 0 : i32
    %c0_i32_1 = arith.constant 0 : i32
    return %c0_i32, %c0_i32_0 : i32, i32
  }
  func.func @transform_7(%arg0: i32) -> (i32, i32) {
    %c0_i32 = arith.constant 0 : i32
    %c0_i32_0 = arith.constant 0 : i32
    return %arg0, %c0_i32 : i32, i32
  }
}

</mosaic_0001>

<sc_bundles>
// kernel: kernel.5.cloned.1.call-start
scs
__scs_entry_jumppad:
0x0: {  	(pc) =	sbr.rel $0x88, $3  }
0x1: {  	(tag) =	ssettag $0x0;
	lr =	simm.s32 $0x1  }
0x2: {  	[smem:$0x3F9A] =	sst lr;
	_ =	strace $0xD0000000  }
0x3: {  	_ = 	snop  }
0x4: {  	_ = 	snop  }
0x5: {  	_ = 	snop  }
0x6: {  	_ = 	snop  }
0x7: {  	_ = 	snop  }
__scs_overlays_trampoline_lowered:
0x8: {  	[smem:$0x3FA9] =	sst s0  }
0x9: {  	[smem:$0x3FAA] =	sst s1  }
0xa: {  	[smem:$0x3FAB] =	sst s2  }
0xb: {  	[smem:$0x3FAC] =	sst s3  }
0xc: {  	[smem:$0x3FAD] =	sst s4  }
0xd: {  	[smem:$0x3FAE] =	sst s5  }
0xe: {  	[smem:$0x3FAF] =	sst s6  }
0xf: {  	[smem:$0x3FB0] =	sst s7  }
0x10: {  	[smem:$0x3FB1] =	sst s8  }
0x11: {  	[smem:$0x3FB2] =	sst s9;
	s0 =	simm.s32 @!p0 $0x0  }
0x12: {  	s1 =	sld [smem:$0x3F98];
	s0 =	simm.s32 @p0 $0x1  }
0x13: {  	[smem:$0x3FB3] =	sst s0;
	s0 =	simm.s32 @!p1 $0x0  }
0x14: {  	s2 =	sld [smem:$0x3F97];
	s0 =	simm.s32 @p1 $0x1  }
0x15: {  	[smem:$0x3FB4] =	sst s0;
	s0 =	simm.s32 @!p2 $0x0  }
0x16: {  	s3 =	sld [smem:$0x3FDB];
	s0 =	simm.s32 @p2 $0x1  }
0x17: {  	s4 =	simm.s32 $0x1BF5;
	[smem:$0x3FB6] =	sst s0  }
0x18: {  	s0 =	sld [smem:$0x3F99];
	_ =	swait.ge [sflag:s4], $0x0  }
0x19: {  	s7 =	sld [smem:$0x3F9A]  }
0x1a: {  	s8 =	sadd.s32 $0xFFFFE003, lr  }
0x1b: {  	s9 =	sadd.s32 $0xFFFFFEF7, lr;
	s5 =	simm.s32 $0xFFFFFFFF;
	p2 =	slt.u32 s8, $0xFFFFF086  }
0x1c: {  	p1 =	slt.u32 s9, $0xF7A;
	s5 =	simm.s32 @!p2 $0x0  }
0x1d: {  	s5 =	simm.s32 @p1 $0x1;
	p0 =	seq.s32 s7, s2  }
0x1e: {  	s7 =	smul.u32 @!p0 $0xF7A, s2;
	p2 =	seq.s32 @!p0 s5, $0x0  }
0x1f: {  	s9 =	smul.u32 $0xF7A, s1;
	s8 =	simm.s32 @!p0 $0x1BF5;
	p2 =	por !p2, p0  }
0x20: {  	[sflag:s8] =	ssyncset.s32 @!p0 $0xFFFFF086;
	s6 =	sadd.s32 @!p0 s3, s7;
	s7 =	simm.s32 @!p0 $0x108  }
0x21: {  	s3 =	sadd.s32 s3, s9;
	s6 =	sadd.s32 @!p0 $0x88, s6;
	s7 =	simm.s32 @p2 $0x1082  }
0x22: {  	[simem:s7], [sflag:s8] =	dma.local @!p0 [hbm:s6], $0xF7A  }
0x23: {  	s9 =	sor.u32 $0xD0000000, s2;
	s6 =	simm.s32 $0x108;
	_ =	swait.ge @!p0 [sflag:s8], $0x0  }
0x24: {  	s3 =	sadd.s32 $0x88, s3;
	s6 =	simm.s32 @!p1 $0x1082;
	[sflag:s4] =	ssyncset.s32 $0xFFFFF086  }
0x25: {  	[simem:s6], [sflag:s4] =	dma.local [hbm:s3], $0xF7A  }
0x26: {  	[smem:$0x3F9A] =	sst s1;
	(tag) =	ssettag s2;
	_ =	strace s9  }
0x27: {  	s1 =	sld [smem:$0x3FAA]  }
0x28: {  	s2 =	sld [smem:$0x3FAB]  }
0x29: {  	s4 =	sld [smem:$0x3FAD]  }
0x2a: {  	p0 =	seq.s32 s5, $0x0;
	s5 =	sld [smem:$0x3FAE]  }
0x2b: {  	s6 =	sld [smem:$0x3FAF]  }
0x2c: {  	s7 =	sld [smem:$0x3FB0]  }
0x2d: {  	s3 =	simm.s32 $0x108;
	s8 =	sld [smem:$0x3FB1]  }
0x2e: {  	s3 =	simm.s32 @!p0 $0x1082;
	s9 =	sld [smem:$0x3FB2]  }
0x2f: {  	lr =	sadd.s32 s0, s3;
	s0 =	sld [smem:$0x3FA9]  }
0x30: {  	s3 =	sld [smem:$0x3FAC]  }
0x31: {  	[smem:$0x3FB5] =	sst s10  }
0x32: {  	s10 =	sld [smem:$0x3FB3];
	_ =	sdelay $0x3  }
0x33: {  	p0 =	seq.s32 s10, $0x1;
	s10 =	sld [smem:$0x3FB5];
	_ =	sdelay $0x3  }
0x34: {  	[smem:$0x3FB5] =	sst s10  }
0x35: {  	s10 =	sld [smem:$0x3FB4];
	_ =	sdelay $0x3  }
0x36: {  	p1 =	seq.s32 s10, $0x1;
	s10 =	sld [smem:$0x3FB5];
	_ =	sdelay $0x3  }
0x37: {  	[smem:$0x3FB5] =	sst s10  }
0x38: {  	s10 =	sld [smem:$0x3FB6]  }
0x39: {  	_ = 	snop;
	(pc) =	sbr.ind lr, $3  }
0x3a: {  	_ = 	snop  }
0x3b: {  	_ = 	snop  }
0x3c: {  	p2 =	seq.s32 s10, $0x1;
	s10 =	sld [smem:$0x3FB5]  }
0x3d: {  	_ =	shalt  }
0x3e: {  	_ =	shalt  }
0x3f: {  	_ =	shalt  }
0x40: {  	_ =	shalt  }
0x41: {  	_ =	shalt  }
0x42: {  	_ =	shalt  }
0x43: {  	_ =	shalt  }
0x44: {  	_ =	shalt  }
0x45: {  	_ =	shalt  }
0x46: {  	_ =	shalt  }
0x47: {  	_ =	shalt  }
0x48: {  	_ =	shalt  }
0x49: {  	_ =	shalt  }
0x4a: {  	_ =	shalt  }
0x4b: {  	_ =	shalt  }
0x4c: {  	_ =	shalt  }
0x4d: {  	_ =	shalt  }
0x4e: {  	_ =	shalt  }
0x4f: {  	_ =	shalt  }
0x50: {  	_ =	shalt  }
0x51: {  	_ =	shalt  }
0x52: {  	_ =	shalt  }
0x53: {  	_ =	shalt  }
0x54: {  	_ =	shalt  }
0x55: {  	_ =	shalt  }
0x56: {  	_ =	shalt  }
0x57: {  	_ =	shalt  }
0x58: {  	_ =	shalt  }
0x59: {  	_ =	shalt  }
0x5a: {  	_ =	shalt  }
0x5b: {  	_ =	shalt  }
0x5c: {  	_ =	shalt  }
0x5d: {  	_ =	shalt  }
0x5e: {  	_ =	shalt  }
0x5f: {  	_ =	shalt  }
0x60: {  	_ =	shalt  }
0x61: {  	_ =	shalt  }
0x62: {  	_ =	shalt  }
0x63: {  	_ =	shalt  }
0x64: {  	_ =	shalt  }
0x65: {  	_ =	shalt  }
0x66: {  	_ =	shalt  }
0x67: {  	_ =	shalt  }
0x68: {  	_ =	shalt  }
0x69: {  	_ =	shalt  }
0x6a: {  	_ =	shalt  }
0x6b: {  	_ =	shalt  }
0x6c: {  	_ =	shalt  }
0x6d: {  	_ =	shalt  }
0x6e: {  	_ =	shalt  }
0x6f: {  	_ =	shalt  }
0x70: {  	_ =	shalt  }
0x71: {  	_ =	shalt  }
0x72: {  	_ =	shalt  }
0x73: {  	_ =	shalt  }
0x74: {  	_ =	shalt  }
0x75: {  	_ =	shalt  }
0x76: {  	_ =	shalt  }
0x77: {  	_ =	shalt  }
0x78: {  	_ =	shalt  }
0x79: {  	_ =	shalt  }
0x7a: {  	_ =	shalt  }
0x7b: {  	_ =	shalt  }
0x7c: {  	_ =	shalt  }
0x7d: {  	_ =	shalt  }
0x7e: {  	_ =	shalt  }
0x7f: {  	_ =	shalt  }
0x80: {  	_ =	shalt  }
0x81: {  	_ =	shalt  }
0x82: {  	_ =	shalt  }
0x83: {  	_ =	shalt  }
0x84: {  	_ =	shalt  }
0x85: {  	_ =	shalt  }
0x86: {  	_ =	shalt  }
0x87: {  	_ =	shalt  }
.Lfunc_end0:
.L_simem_size_0:
called_computation_lowered:
.L_overlay_start_0:
0x88: {  	s2 =	sld [smem:$0x3FD9]  }
0x89: {  	s3 =	sld [smem:$0x3FFE];
	_ =	sdelay $0x1  }
0x8a: {  	s1 =	srdreg.scid  }
0x8b: {  	s0 =	sand.u32 $0x1, s1  }
0x8c: {  	s17 =	sshll.u32 s0, $0xA;
	s2 =	sadd.s32 s3, s2  }
0x8d: {  	s2 =	sadd.s32 s2, s17  }
0x8e: {  	[smem:$0x3FC1] =	sst s2  }
0x8f: {  	_ = 	snop  }
0x90: {  	s2 =	sld [smem:$0x3FD0];
	(tm) =	ssettm $0x1  }
0x91: {  	s18 =	sld [smem:$0x3FFB];
	_ =	sdelay $0x3  }
0x92: {  	_ =	strace s18  }
0x93: {  	s3 =	sld [smem:$0x3FFC];
	_ =	sdelay $0x3  }
0x94: {  	_ =	strace s3  }
0x95: {  	s3 =	sld [smem:$0x3FFD];
	_ =	sdelay $0x3  }
0x96: {  	_ =	strace s3  }
0x97: {  	_ =	strace $0x8FFFFFFF  }
0x98: {  	s19 =	sld [smem:$0x3FDB];
	_ =	sdelay $0x1  }
0x99: {  	s4 =	simm.s32 $_scs_section_size  }
0x9a: {  	s5 =	simm.s32 $_size__tile_overlayer_lowered;
	s6 =	simm.s32 $_tile_overlayer_lowered  }
0x9b: {  	s22 =	simm.s32 $0x1BFF;
	s21 =	sshll.u32 s6, $0x1;
	s3 =	sadd.s32 s4, s19  }
0x9c: {  	s7 =	simm.s32 $0x0;
	s20 =	sshll.u32 s5, $0x1;
	s5 =	sadd.s32 s21, s3  }
0x9d: {  	[timem:s7], [sflag:s22] =	dma.local [hbm:s5], s20  }
0x9e: {  	_ =	swait.ge [sflag:s22], s20  }
0x9f: {  	s4 =	ssub.s32 $0x0, s20;
	[sflag:s22] =	ssyncset.done $0x0  }
0xa0: {  	[sflag:s22] =	ssyncadd.s32 s4;
	_ =	sdelay $0x1  }
0xa1: {  	s23 =	simm.s32 $0x1B8B  }
0xa2: {  	_ =	swait.ge [sflag:s23], $0x1  }
0xa3: {  	[sflag:s23] =	ssyncset.done $0x0  }
0xa4: {  	s25 =	simm.s32 $0x1B8E;
	s24 =	sld [smem:$0x3FFE];
	[sflag:s23] =	ssyncadd.s32 $0xFFFFFFFF  }
0xa5: {  	s26 =	simm.s32 $execute0_lowered;
	[smem:$0x3FD2] =	sst s25  }
0xa6: {  	s5 =	sshll.u32 s26, $0x1;
	_ =	strace $0x80000046;
	[dreg:$0x1] =	wrdreg $0xFFFFFFFF  }
0xa7: {  	s28 =	simm.s32 $_size_execute0_lowered;
	s3 =	sadd.s32 s3, s5;
	[dreg:$0x0] =	wrdreg $0x0  }
0xa8: {  	s5 =	sshll.u32 s28, $0x1;
	[dreg:$0x2] =	wrdreg s3  }
0xa9: {  	[dreg:$0x3] =	wrdreg s5  }
0xaa: {  	[dreg:$0x4] =	wrdreg $0xC0  }
0xab: {  	_ =	task [dreg:s7], $0x5FFFF  }
0xac: {  	[dreg:$0x1] =	wrdreg $0xFFFFFFFF  }
0xad: {  	[dreg:$0x0] =	wrdreg $0x60  }
0xae: {  	[dreg:$0x2] =	wrdreg s24  }
0xaf: {  	[dreg:$0x3] =	wrdreg s2  }
0xb0: {  	[dreg:$0x4] =	wrdreg $0x124900  }
0xb1: {  	[dreg:$0x5] =	wrdreg $0x9  }
0xb2: {  	_ =	task.clear_ibuf [dreg:s7], $0x6FFFF;
	_ =	strace $0x90000046  }
0xb3: {  	s29 =	simm.s32 $0x9;
	_ =	strace $0x80000048  }
0xb4: {  	_ =	swait.ge [sflag:s29], $0x1  }
0xb5: {  	[sflag:s29] =	ssyncadd.s32 $0xFFFFFFFF  }
0xb6: {  	_ =	strace $0x90000048  }
0xb7: {  	_ =	sfence  }
0xb8: {  	s30 =	sld [smem:$0x0];
	_ =	sdelay $0x2  }
0xb9: {  	s31 =	sshll.u32 s1, $0xD;
	s1 =	sshrl.u32 s1, $0x2  }
0xba: {  	s3 =	sand.u32 $0x4000, s31;
	s1 =	sadd.s32 s1, s30  }
0xbb: {  	s0 =	sor.u32 s3, s0;
	s1 =	sshll.u32 s1, $0x11  }
0xbc: {  	s0 =	sor.u32 s1, s0  }
0xbd: {  	s0 =	sadd.s32 $0x8F2B, s0  }
0xbe: {  	[sflag:s0] =	ssyncadd.remote.s32 $0x1  }
0xbf: {  	_ =	sfence.sel $0xFFFF  }
0xc0: {  	[dreg:$0x0] =	wrdreg $0xFFFFFFFF;
	(pc) =	sbr.abs _section_cstart, $3  }
0xc1: {  	[dreg:$0x1] =	wrdreg $0xFFFFFFFF  }
0xc2: {  	_ =	task.clear_ibuf [dreg:s7], $0x2FFFF;
	_ =	strace $0x9FFFFFFF  }
0xc3: {  	(tm) =	ssettm $0x7FFFFFFF  }
tec
execute0_lowered:
.L_overlay_start_1:
0x0: {  	(tag) =	ssettag $0x1  }
0x1: {  	s0 =	rddreg [dreg:$0x0]  }
0x2: {  	s2 =	rddreg [dreg:$0x1];
	s3 =	srdreg.scid  }
0x3: {  	s1 =	rddreg [dreg:$0x2];
	s11 =	stileid.u32  }
0x4: {  	s28 =	simm.s32 $0x11CB0;
	s29 =	simm.s32 $0x50;
	s30 =	simm.s32 $0xEAB0  }
0x5: {  	s31 =	simm.s32 $0x103B0;
	s4 =	sand.u32 $0x1, s3;
	s3 =	simm.s32 $0x0  }
0x6: {  	s7 =	smul.u32 $0x9C4, s11;
	s8 =	sadd.s32 $0xA00, s0;
	s23 =	sadd.s32 $0x400, s0  }
0x7: {  	s10 =	smul.u32 $0xC350, s11;
	s9 =	sadd.s32 $0x4E600, s0;
	[smem:$0x7FF] =	sst s3  }
0x8: {  	s11 =	smul.u32 $0x30D40, s11;
	_ =	strace $0x80000047;
	[dreg:$0x4] =	wrdreg s8  }
0x9: {  	s5 =	smul.u32 $0xC3500, s4;
	s4 =	ssub.s32 $0x2, s4;
	[dreg:$0x5] =	wrdreg s23  }
0xa: {  	s24 =	sadd.s32 s7, s0;
	[dreg:$0x6] =	wrdreg s9;
	s25 =	sshrl.u32 s4, $0x1  }
0xb: {  	s2 =	sadd.s32 s2, s7;
	s12 =	sadd.s32 $0x2710, s10;
	s14 =	sadd.s32 $0x4E20, s10  }
0xc: {  	s15 =	sadd.s32 s10, s1;
	s18 =	sadd.s32 $0x7530, s10;
	s22 =	sshrl.u32 s11, $0x2  }
0xd: {  	s6 =	sshrl.u32 s5, $0x3;
	s4 =	ssub.s32 s4, s25;
	s8 =	sadd.s32 $0x1000, s24  }
0xe: {  	s26 =	sadd.s32 s5, s10;
	[dreg:$0x8] =	wrdreg s2;
	s13 =	sadd.s32 s5, s12  }
0xf: {  	s17 =	sadd.s32 s5, s14;
	s7 =	sadd.s32 s12, s1;
	s19 =	sadd.s32 s5, s18  }
0x10: {  	s10 =	sadd.s32 $0x9C40, s10;
	s21 =	sadd.s32 s18, s1;
	s16 =	sadd.s32 s22, s1  }
0x11: {  	s18 =	simm.s32 $0x2710;
	s24 =	sshrl.u32 s15, $0x3;
	s6 =	sadd.s32 s6, s0  }
0x12: {  	s0 =	sadd.s32 $0xAE00, s0;
	[dreg:$0x7] =	wrdreg s8;
	s8 =	sshrl.u32 s26, $0x3  }
0x13: {  	s4 =	smax.u32 s4, $0x1;
	s5 =	sadd.s32 s5, s10;
	s23 =	sadd.s32 s10, s1  }
0x14: {  	[dreg:$0xf] =	wrdreg s24;
	s25 =	sshrl.u32 s7, $0x3;
	s24 =	sshrl.u32 s21, $0x3  }
0x15: {  	s9 =	sadd.s32 $0x4E800, s6;
	s2 =	sadd.s32 s0, s8;
	[dreg:$0xa] =	wrdreg s4  }
0x16: {  	s4 =	sadd.s32 s14, s1;
	[dreg:$0x9] =	wrdreg s2;
	s2 =	sshrl.u32 s13, $0x3  }
0x17: {  	s20 =	sshrl.u32 s5, $0x3;
	[dreg:$0x10] =	wrdreg s25;
	s2 =	sadd.s32 s0, s2  }
0x18: {  	s26 =	sshrl.u32 s4, $0x3;
	[dreg:$0xb] =	wrdreg s2;
	s2 =	sshrl.u32 s17, $0x3  }
0x19: {  	s25 =	sshrl.u32 s23, $0x3;
	[dreg:$0x11] =	wrdreg s26;
	s2 =	sadd.s32 s0, s2  }
0x1a: {  	s26 =	simm.s32 $0x0;
	[dreg:$0xc] =	wrdreg s2;
	s2 =	sshrl.u32 s19, $0x3  }
0x1b: {  	s17 =	simm.s32 $0x5;
	s19 =	simm.s32 $0x2;
	s2 =	sadd.s32 s0, s2  }
0x1c: {  	s0 =	sadd.s32 s0, s20;
	s20 =	simm.s32 $0x3;
	[dreg:$0xd] =	wrdreg s2  }
0x1d: {  	v0 =	vimm.f32 $0.0e+00;
	[dreg:$0xe] =	wrdreg s0;
	s0 =	simm.s32 $0x1;
	s2 =	simm.s32 $0x4  }
.LBB2_1:
0x1e: {  	s4 =	rddreg [dreg:$0x4]  }
0x1f: {  	[tilespmem:s3], [sflag:$0x5] =	stream.linear.gather [hbm4b:s4+s3], $0x2710, $0x38;
	[tilespmem:$0x1E7E0] =	vst v63  }
0x20: {  	_ =	swait.ge [sflag:s17], $0x2710  }
0x21: {  	[sflag:s17] =	ssyncset.done $0x0  }
0x22: {  	s13 =	rddreg [dreg:$0x5];
	[sflag:s17] =	ssyncadd.s32 $0xFFFFD8F0  }
0x23: {  	[tilespmem:s18], [sflag:$0x5] =	stream.linear.gather [hbm4b:s13+s3], $0x2710, $0x38;
	[tilespmem:$0x1E7E0] =	vst v63  }
0x24: {  	_ =	swait.ge [sflag:s17], $0x2710  }
0x25: {  	[sflag:s17] =	ssyncset.done $0x0  }
0x26: {  	s5 =	simm.s32 $0x4E20;
	s14 =	rddreg [dreg:$0x7];
	[sflag:s17] =	ssyncadd.s32 $0xFFFFD8F0  }
0x27: {  	[tilespmem:s5], [sflag:$0x5] =	stream.linear.gather [hbm4b:s14+s3], $0x4E20, $0x38;
	[tilespmem:$0x1E7E0] =	vst v63  }
0x28: {  	_ =	swait.ge [sflag:s17], $0x4E20  }
0x29: {  	[sflag:s17] =	ssyncset.done $0x0  }
0x2a: {  	s21 =	simm.s32 $0x9C40;
	s15 =	rddreg [dreg:$0x8];
	[sflag:s17] =	ssyncadd.s32 $0xFFFFB1E0  }
0x2b: {  	[tilespmem:s21], [sflag:$0x5] =	stream.linear.gather [hbm4b:s15+s3], $0x4E20, $0x38;
	[tilespmem:$0x1E7E0] =	vst v63  }
0x2c: {  	_ =	swait.ge [sflag:s17], $0x4E20  }
0x2d: {  	[sflag:s17] =	ssyncset.done $0x0  }
0x2e: {  	s23 =	simm.s32 $0x12480;
	s22 =	rddreg [dreg:$0x6];
	[sflag:s17] =	ssyncadd.s32 $0xFFFFB1E0  }
0x2f: {  	[tilespmem:s23], [sflag:$0x5] =	stream.linear.gather [hbm4b:s22+s3], $0x10, $0x38;
	[tilespmem:$0x1E7E0] =	vst v63  }
0x30: {  	_ =	swait.ge [sflag:s17], $0x10  }
0x31: {  	[sflag:s17] =	ssyncset.done $0x0  }
0x32: {  	[sflag:s17] =	ssyncadd.s32 $0xFFFFFFF0  }
0x33: {  	s4 =	simm.s32 $0x0;
	s5 =	simm.s32 $0x140;
	v1 =	vld [tilespmem:$0x12480]  }
.LBB2_2:
0x34: {  	p0 =	sne.s32 s5, $0x1E00;
	[tilespmem:s4+$0x11CF0] =	vst v0;
	s6 =	smov.u32 s5;
	s5 =	sadd.s32 $0x140, s5  }
.Ltmp0:
0x35: {  	[tilespmem:s4+$0x11CE0] =	vst v0;
	(pc) =	sbr.rel @p0 .LBB2_2-.Ltmp0, $4  }
0x36: {  	[tilespmem:s4+$0x11CD0] =	vst v0  }
0x37: {  	[tilespmem:s4+$0x11CB0] =	vst v0  }
0x38: {  	[tilespmem:s4+$0x11CC0] =	vst v0  }
0x39: {  	s4 =	sshra.s32 s6, $0x2  }
0x3a: {  	[tilespmem:s4+$0x11CF0] =	vst v0  }
0x3b: {  	[tilespmem:s4+$0x11CE0] =	vst v0  }
0x3c: {  	[tilespmem:s4+$0x11CD0] =	vst v0  }
0x3d: {  	[tilespmem:s4+$0x11CB0] =	vst v0  }
0x3e: {  	[tilespmem:s4+$0x11CC0] =	vst v0;
	s23 =	sadd.s32 $0x0, s16  }
0x3f: {  	[spmem:s23] =	stream.linear.scatter [tilespmem:s28], [sflag:$0x5], $0x7D0, $0x38;
	[tilespmem:$0x1E7E0] =	vst v63  }
0x40: {  	s4 =	simm.s32 $0x1F40;
	_ =	swait.ge [sflag:s17], $0x7D0  }
.LBB2_4:
0x41: {  	s5 =	sshra.s32 s4, $0x2;
	[sflag:s17] =	ssyncset.done $0x0;
	p0 =	sne.s32 s4, $0x2EE00  }
.Ltmp1:
0x42: {  	s5 =	sadd.s32 s5, s16;
	[sflag:s17] =	ssyncadd.s32 $0xFFFFF830;
	(pc) =	sbr.rel @p0 .LBB2_4-.Ltmp1, $3  }
0x43: {  	[spmem:s5] =	stream.linear.scatter [tilespmem:s28], [sflag:$0x5], $0x7D0, $0x38;
	[tilespmem:$0x1E7E0] =	vst v63  }
0x44: {  	s4 =	sadd.s32 $0x1F40, s4;
	_ =	sdelay $0x1  }
0x45: {  	_ =	swait.ge [sflag:s17], $0x7D0  }
0x46: {  	[sflag:s17] =	ssyncset.done $0x0;
	s4 =	simm.s32 $0x4E20;
	s5 =	simm.s32 $0x0  }
0x47: {  	s6 =	simm.s32 $0x9C40;
	s7 =	simm.s32 $0x4E70;
	[sflag:s17] =	ssyncadd.s32 $0xFFFFF830  }
0x48: {  	s8 =	simm.s32 $0x9C90;
	s10 =	simm.s32 $0x0;
	[bflag:$0x0] =	sbarrier.arrive $0xFFFF  }
0x49: {  	[tilespmem:s30], [sflag:$0x1] =	stream.indirect.gather [hbm4b:s9+s29], $0x50, s4, s29, $0xb8;
	[tilespmem:$0x1E7E0] =	vst v63  }
.LBB2_6:
0x4a: {  	s11 =	smul.u32 $0xA0, s10;
	_ =	sdelay $0x1  }
0x4b: {  	v2 =	vmov s4;
	s12 =	sadd.s32 $0x4E70, s11  }
0x4c: {  	v3 =	vmov s6;
	[tilespmem:s31], [sflag:$0x2] =	stream.indirect.gather [hbm4b:s9+s29], $0x50, s12, s29, $0xb8;
	[tilespmem:$0x1E7E0] =	vst v63  }
0x4d: {  	_ =	swait.ge [sflag:s0], $0x1900  }
0x4e: {  	[sflag:s0] =	ssyncset.done $0x0  }
0x4f: {  	s13 =	simm.s32 $0x0;
	[sflag:s0] =	ssyncadd.s32 $0xFFFFE700  }
0x50: {  	v4 =	vld.idx.msk [tilespmem:v2+s13+$0x0 ss:$0x1], $0xffff  }
0x51: {  	v5 =	vld.idx.msk [tilespmem:v3+s13+$0x0 ss:$0x1], $0xffff;
	_ =	sdelay $0x6  }
0x52: {  	v4 =	vld.idx.msk [tilespmem:v4+s5+$0x0], $0xffff  }
0x53: {  	v5 =	vld.idx.msk [tilespmem:v5+s18+$0x0], $0xffff;
	_ =	sdelay $0x1  }
0x54: {  	s14 =	simm.s32 $0x10  }
0x55: {  	v6 =	vld.idx.msk [tilespmem:v2+s14+$0x0 ss:$0x1], $0xffff  }
0x56: {  	v7 =	vld.idx.msk [tilespmem:v3+s14+$0x0 ss:$0x1], $0xffff  }
0x57: {  	v4 =	vadd.f32 v5, v4;
	_ =	sdelay $0x1  }
0x58: {  	v5 =	vmul.f32 $2.000000030e-01, v4  }
0x59: {  	vm0 =	vgt.f32 v4, $0.0e+00  }
0x5a: {  	v4 =	vsel vm0, v4, v5  }
0x5b: {  	v5 =	vsub.f32 v4, v1  }
0x5c: {  	v4 =	vld.idx.msk [tilespmem:v6+s5+$0x0], $0xffff  }
0x5d: {  	v8 =	vmul.f32 $1.442695020e+00, v5;
	v5 =	vld.idx.msk [tilespmem:v7+s18+$0x0], $0xffff  }
0x5e: {  	s15 =	simm.s32 $0x20  }
0x5f: {  	s21 =	simm.s32 $0xC0;
	s11 =	sadd.s32 $0x50, s11;
	v6 =	vld.idx.msk [tilespmem:v2+s15+$0x0 ss:$0x1], $0xffff;
	(erf) = vpow2.f32 v8  }
.LBB2_7:
0x60: {  	p0 =	sne.s32 s21, $0x100;
	v7 =	vld.idx.msk [tilespmem:v3+s15+$0x0 ss:$0x1], $0xffff;
	_ =	sdelay $0x1  }
0x61: {  	v4 =	vadd.f32 v5, v4;
	_ =	sdelay $0x1  }
0x62: {  	v5 =	vmul.f32 $2.000000030e-01, v4  }
0x63: {  	vm0 =	vgt.f32 v4, $0.0e+00  }
0x64: {  	s12 =	simm.s32 $0x0;
	v5 =	vsel vm0, v4, v5  }
.Ltmp2:
0x65: {  	v4 =	vld.idx.msk [tilespmem:v6+s12+$0x0], $0xffff;
	v6 =	vsub.f32 v5, v1;
	(pc) =	sbr.rel @p0 .LBB2_7-.Ltmp2, $4  }
0x66: {  	v5 =	vld.idx.msk [tilespmem:v7+s18+$0x0], $0xffff;
	v7 =	vpop (erf)  }
0x67: {  	v8 =	vmul.f32 $1.442695020e+00, v6;
	[tilespmem:s13+$0xEA60] =	vst v7;
	s13 =	smov.u32 s14;
	s14 =	smov.u32 s15  }
0x68: {  	s15 =	sshra.s32 s21, $0x2  }
0x69: {  	s21 =	sadd.s32 $0x40, s21;
	v6 =	vld.idx.msk [tilespmem:v2+s15+$0x0 ss:$0x1], $0xffff;
	(erf) = vpow2.f32 v8  }
0x6a: {  	_ =	sdelay $0x3  }
0x6b: {  	v2 =	vld.idx.msk [tilespmem:v3+s15+$0x0 ss:$0x1], $0xffff;
	_ =	sdelay $0x6  }
0x6c: {  	v3 =	vld.idx.msk [tilespmem:v6+s12+$0x0], $0xffff  }
0x6d: {  	v2 =	vld.idx.msk [tilespmem:v2+s18+$0x0], $0xffff;
	_ =	sdelay $0x3  }
0x6e: {  	v4 =	vadd.f32 v5, v4  }
0x6f: {  	v2 =	vadd.f32 v2, v3  }
0x70: {  	v3 =	vmul.f32 $2.000000030e-01, v4  }
0x71: {  	vm0 =	vgt.f32 v4, $0.0e+00;
	v63 =	vmul.f32 $2.000000030e-01, v2  }
0x72: {  	v3 =	vsel vm0, v4, v3;
	vm15 =	vgt.f32 v2, $0.0e+00  }
0x73: {  	v3 =	vsub.f32 v3, v1;
	v2 =	vsel vm15, v2, v63  }
0x74: {  	v2 =	vsub.f32 v2, v1  }
0x75: {  	v3 =	vmul.f32 $1.442695020e+00, v3  }
0x76: {  	v2 =	vmul.f32 $1.442695020e+00, v2  }
0x77: {  	(erf) = vpow2.f32 v3  }
0x78: {  	(erf) = vpow2.f32 v2;
	_ =	sdelay $0x6  }
0x79: {  	v2 =	vpop (erf)  }
0x7a: {  	[tilespmem:s13+$0xEA60] =	vst v2;
	v3 =	vpop (erf)  }
0x7b: {  	[tilespmem:s14+$0xEA60] =	vst v3;
	v2 =	vpop (erf)  }
0x7c: {  	s13 =	simm.s32 $0xEAD0;
	s14 =	simm.s32 $0x0;
	[tilespmem:s15+$0xEA60] =	vst v2  }
.LBB2_9:
0x7d: {  	s15 =	sshll.u32 s14, $0x4  }
0x7e: {  	v3 =	vld [tilespmem:s15+$0xEA60];
	_ =	sdelay $0x1  }
0x7f: {  	v8 =	vld [tilespmem:s13+$0x20];
	p0 =	por $0x1, $0x1  }
.Ltmp3:
0x80: {  	v5 =	vld [tilespmem:s13+$0xFFFFFFE0];
	(pc) =	sbr.rel @!p0 .LBB2_11-.Ltmp3, $4  }
0x81: {  	v2 =	vmov s12;
	v7 =	vld [tilespmem:s13+$0xFFFFFFF0]  }
0x82: {  	v4 =	vld [tilespmem:s13+$0x0];
	v2 =	vperm.xlane v3, v2  }
0x83: {  	v6 =	vld [tilespmem:s13+$0x10]  }
0x84: {  	s21 =	simm.s32 $0x1;
	s22 =	sadd.s32 $0x50, s13;
	s15 =	smov.u32 s13;
	v8 =	vmul.f32 v8, v2  }
.LBB2_10:
0x85: {  	v9 =	vld [tilespmem:s22+$0x20];
	p0 =	sne.s32 s21, $0xF;
	v10 =	vmul.f32 v5, v2;
	s23 =	smov.u32 s21;
	s21 =	sadd.s32 $0x1, s21  }
.Ltmp4:
0x86: {  	v5 =	vld [tilespmem:s22+$0xFFFFFFE0];
	v11 =	vmul.f32 v7, v2;
	[tilespmem:s15+$0x20] =	vst v8;
	(pc) =	sbr.rel @p0 .LBB2_10-.Ltmp4, $4  }
0x87: {  	v8 =	vmov s23;
	v7 =	vld [tilespmem:s22+$0xFFFFFFF0];
	[tilespmem:s15+$0xFFFFFFE0] =	vst v10;
	v10 =	vmul.f32 v4, v2  }
0x88: {  	v4 =	vld [tilespmem:s22+$0x0];
	[tilespmem:s15+$0xFFFFFFF0] =	vst v11;
	v11 =	vmul.f32 v6, v2;
	v2 =	vperm.xlane v3, v8  }
0x89: {  	v6 =	vld [tilespmem:s22+$0x10];
	[tilespmem:s15+$0x0] =	vst v10  }
0x8a: {  	v8 =	vmul.f32 v9, v2;
	[tilespmem:s15+$0x10] =	vst v11;
	s15 =	smov.u32 s22;
	s22 =	sadd.s32 $0x50, s22  }
.LBB2_11:
0x8b: {  	s14 =	sadd.s32 $0x1, s14  }
0x8c: {  	v3 =	vmul.f32 v5, v2;
	p0 =	sne.s32 s14, $0x5  }
.Ltmp5:
0x8d: {  	v63 =	vmul.f32 v7, v2;
	[tilespmem:s15+$0x20] =	vst v8;
	(pc) =	sbr.rel @p0 .LBB2_9-.Ltmp5, $4  }
0x8e: {  	[tilespmem:s15+$0xFFFFFFE0] =	vst v3;
	v3 =	vmul.f32 v4, v2  }
0x8f: {  	[tilespmem:s15+$0xFFFFFFF0] =	vst v63;
	v2 =	vmul.f32 v6, v2  }
0x90: {  	[tilespmem:s15+$0x0] =	vst v3  }
0x91: {  	s13 =	sadd.s32 $0x500, s13;
	[tilespmem:s15+$0x10] =	vst v2  }
0x92: {  	s12 =	smul.u32 $0x280, s10;
	_ =	sdelay $0x1  }
0x93: {  	s13 =	sshra.s32 s12, $0x2  }
0x94: {  	v2 =	vmov s7;
	s13 =	sadd.s32 $0x9C40, s13  }
0x95: {  	v3 =	vmov s8;
	[spmem:s1] =	stream.indirect.scatter.add.f32 [tilespmem:s30], [sflag:$0x3], $0x50, s13, s29, $0xb8;
	[tilespmem:$0x1E7E0] =	vst v63  }
0x96: {  	_ =	swait.ge [sflag:s19], $0x1900  }
0x97: {  	[sflag:s19] =	ssyncset.done $0x0  }
0x98: {  	s14 =	simm.s32 $0x0;
	[sflag:s19] =	ssyncadd.s32 $0xFFFFE700  }
0x99: {  	v4 =	vld.idx.msk [tilespmem:v2+s14+$0x0 ss:$0x1], $0xffff  }
0x9a: {  	v5 =	vld.idx.msk [tilespmem:v3+s14+$0x0 ss:$0x1], $0xffff;
	_ =	sdelay $0x5  }
0x9b: {  	s13 =	simm.s32 $0x0  }
0x9c: {  	v4 =	vld.idx.msk [tilespmem:v4+s13+$0x0], $0xffff  }
0x9d: {  	v5 =	vld.idx.msk [tilespmem:v5+s18+$0x0], $0xffff;
	_ =	sdelay $0x1  }
0x9e: {  	s15 =	simm.s32 $0x10  }
0x9f: {  	v6 =	vld.idx.msk [tilespmem:v2+s15+$0x0 ss:$0x1], $0xffff  }
0xa0: {  	v7 =	vld.idx.msk [tilespmem:v3+s15+$0x0 ss:$0x1], $0xffff  }
0xa1: {  	v4 =	vadd.f32 v5, v4;
	_ =	sdelay $0x1  }
0xa2: {  	v5 =	vmul.f32 $2.000000030e-01, v4  }
0xa3: {  	vm0 =	vgt.f32 v4, $0.0e+00  }
0xa4: {  	v4 =	vsel vm0, v4, v5  }
0xa5: {  	v5 =	vsub.f32 v4, v1  }
0xa6: {  	v4 =	vld.idx.msk [tilespmem:v6+s13+$0x0], $0xffff  }
0xa7: {  	v8 =	vmul.f32 $1.442695020e+00, v5;
	v5 =	vld.idx.msk [tilespmem:v7+s18+$0x0], $0xffff  }
0xa8: {  	s21 =	simm.s32 $0x20  }
0xa9: {  	s22 =	simm.s32 $0xC0;
	v6 =	vld.idx.msk [tilespmem:v2+s21+$0x0 ss:$0x1], $0xffff;
	(erf) = vpow2.f32 v8  }
.LBB2_13:
0xaa: {  	p0 =	sne.s32 s22, $0x100;
	v7 =	vld.idx.msk [tilespmem:v3+s21+$0x0 ss:$0x1], $0xffff;
	_ =	sdelay $0x1  }
0xab: {  	v4 =	vadd.f32 v5, v4;
	_ =	sdelay $0x1  }
0xac: {  	v5 =	vmul.f32 $2.000000030e-01, v4  }
0xad: {  	vm0 =	vgt.f32 v4, $0.0e+00  }
0xae: {  	v5 =	vsel vm0, v4, v5  }
.Ltmp6:
0xaf: {  	v4 =	vld.idx.msk [tilespmem:v6+s13+$0x0], $0xffff;
	v6 =	vsub.f32 v5, v1;
	(pc) =	sbr.rel @p0 .LBB2_13-.Ltmp6, $4  }
0xb0: {  	v5 =	vld.idx.msk [tilespmem:v7+s18+$0x0], $0xffff;
	v7 =	vpop (erf)  }
0xb1: {  	v8 =	vmul.f32 $1.442695020e+00, v6;
	[tilespmem:s14+$0xEA60] =	vst v7;
	s14 =	smov.u32 s15;
	s15 =	smov.u32 s21  }
0xb2: {  	s21 =	sshra.s32 s22, $0x2  }
0xb3: {  	s22 =	sadd.s32 $0x40, s22;
	v6 =	vld.idx.msk [tilespmem:v2+s21+$0x0 ss:$0x1], $0xffff;
	(erf) = vpow2.f32 v8  }
0xb4: {  	_ =	sdelay $0x3  }
0xb5: {  	v2 =	vld.idx.msk [tilespmem:v3+s21+$0x0 ss:$0x1], $0xffff;
	_ =	sdelay $0x6  }
0xb6: {  	v3 =	vld.idx.msk [tilespmem:v6+s13+$0x0], $0xffff  }
0xb7: {  	v2 =	vld.idx.msk [tilespmem:v2+s18+$0x0], $0xffff;
	_ =	sdelay $0x3  }
0xb8: {  	v4 =	vadd.f32 v5, v4  }
0xb9: {  	v2 =	vadd.f32 v2, v3  }
0xba: {  	v3 =	vmul.f32 $2.000000030e-01, v4  }
0xbb: {  	vm0 =	vgt.f32 v4, $0.0e+00;
	v63 =	vmul.f32 $2.000000030e-01, v2  }
0xbc: {  	v3 =	vsel vm0, v4, v3;
	vm15 =	vgt.f32 v2, $0.0e+00  }
0xbd: {  	v3 =	vsub.f32 v3, v1;
	v2 =	vsel vm15, v2, v63  }
0xbe: {  	v2 =	vsub.f32 v2, v1  }
0xbf: {  	v3 =	vmul.f32 $1.442695020e+00, v3  }
0xc0: {  	v2 =	vmul.f32 $1.442695020e+00, v2  }
0xc1: {  	(erf) = vpow2.f32 v3  }
0xc2: {  	(erf) = vpow2.f32 v2;
	_ =	sdelay $0x6  }
0xc3: {  	v2 =	vpop (erf)  }
0xc4: {  	[tilespmem:s14+$0xEA60] =	vst v2;
	v3 =	vpop (erf)  }
0xc5: {  	[tilespmem:s15+$0xEA60] =	vst v3;
	v2 =	vpop (erf)  }
0xc6: {  	s14 =	simm.s32 $0x103D0;
	[tilespmem:s21+$0xEA60] =	vst v2  }
.LBB2_15:
0xc7: {  	s15 =	sshll.u32 s13, $0x4  }
0xc8: {  	v3 =	vld [tilespmem:s15+$0xEA60];
	_ =	sdelay $0x1  }
0xc9: {  	v8 =	vld [tilespmem:s14+$0x20]  }
0xca: {  	s23 =	simm.s32 $0x0;
	v6 =	vld [tilespmem:s14+$0xFFFFFFE0]  }
0xcb: {  	v7 =	vld [tilespmem:s14+$0xFFFFFFF0];
	v2 =	vmov s23  }
0xcc: {  	v4 =	vld [tilespmem:s14+$0x0];
	v2 =	vperm.xlane v3, v2  }
0xcd: {  	v5 =	vld [tilespmem:s14+$0x10]  }
0xce: {  	s21 =	simm.s32 $0x1;
	s22 =	sadd.s32 $0x50, s14;
	s15 =	smov.u32 s14;
	v8 =	vmul.f32 v8, v2  }
.LBB2_16:
0xcf: {  	v9 =	vld [tilespmem:s22+$0x20];
	p0 =	sne.s32 s21, $0xF;
	v10 =	vmul.f32 v6, v2;
	s23 =	smov.u32 s21;
	s21 =	sadd.s32 $0x1, s21  }
.Ltmp7:
0xd0: {  	v6 =	vld [tilespmem:s22+$0xFFFFFFE0];
	v11 =	vmul.f32 v7, v2;
	[tilespmem:s15+$0x20] =	vst v8;
	(pc) =	sbr.rel @p0 .LBB2_16-.Ltmp7, $4  }
0xd1: {  	v8 =	vmov s23;
	v7 =	vld [tilespmem:s22+$0xFFFFFFF0];
	[tilespmem:s15+$0xFFFFFFE0] =	vst v10;
	v10 =	vmul.f32 v4, v2  }
0xd2: {  	v4 =	vld [tilespmem:s22+$0x0];
	[tilespmem:s15+$0xFFFFFFF0] =	vst v11;
	v11 =	vmul.f32 v5, v2;
	v2 =	vperm.xlane v3, v8  }
0xd3: {  	v5 =	vld [tilespmem:s22+$0x10];
	[tilespmem:s15+$0x0] =	vst v10  }
0xd4: {  	v8 =	vmul.f32 v9, v2;
	[tilespmem:s15+$0x10] =	vst v11;
	s15 =	smov.u32 s22;
	s22 =	sadd.s32 $0x50, s22  }
0xd5: {  	s13 =	sadd.s32 $0x1, s13  }
0xd6: {  	v3 =	vmul.f32 v6, v2;
	p0 =	sne.s32 s13, $0x5  }
.Ltmp8:
0xd7: {  	v63 =	vmul.f32 v7, v2;
	[tilespmem:s15+$0x20] =	vst v8;
	(pc) =	sbr.rel @p0 .LBB2_15-.Ltmp8, $4  }
0xd8: {  	[tilespmem:s15+$0xFFFFFFE0] =	vst v3;
	v3 =	vmul.f32 v4, v2  }
0xd9: {  	[tilespmem:s15+$0xFFFFFFF0] =	vst v63;
	v2 =	vmul.f32 v5, v2  }
0xda: {  	[tilespmem:s15+$0x0] =	vst v3  }
0xdb: {  	s14 =	sadd.s32 $0x500, s14;
	[tilespmem:s15+$0x10] =	vst v2  }
0xdc: {  	s11 =	sadd.s32 $0x9C40, s11  }
0xdd: {  	[spmem:s1] =	stream.indirect.scatter.add.f32 [tilespmem:s31], [sflag:$0x4], $0x50, s11, s29, $0xb8;
	[tilespmem:$0x1E7E0] =	vst v63  }
0xde: {  	p0 =	seq.s32 s10, $0x7C;
	s10 =	sadd.s32 $0x1, s10;
	_ =	swait.ge [sflag:s20], $0x1900  }
0xdf: {  	s11 =	sshra.s32 @!p0 s12, $0x2;
	s12 =	simm.s32 @!p0 $0x50;
	[sflag:s20] =	ssyncset.done $0x0  }
0xe0: {  	s13 =	simm.s32 @!p0 $0xEAB0;
	s11 =	sadd.s32 @!p0 $0x4EC0, s11;
	[sflag:s20] =	ssyncadd.s32 $0xFFFFE700  }
0xe1: {  	[tilespmem:s13], [sflag:$0x1] =	stream.indirect.gather @!p0 [hbm4b:s9+s12], $0x50, s11, s12, $0xb8;
	[tilespmem:$0x1E7E0] =	vst v63  }
0xe2: {  	p0 =	sne.s32 s10, $0x7D  }
.Ltmp9:
0xe3: {  	_ = 	snop;
	(pc) =	sbr.rel @p0 .LBB2_6-.Ltmp9, $4  }
0xe4: {  	_ = 	snop  }
0xe5: {  	_ =	swait.ge [sflag:s2], $0x1900  }
0xe6: {  	s4 =	sadd.s32 $0xA0, s4;
	s6 =	sadd.s32 $0xA0, s6;
	[sflag:s2] =	ssyncset.done $0x0  }
0xe7: {  	s7 =	sadd.s32 $0xA0, s7;
	s8 =	sadd.s32 $0xA0, s8;
	[sflag:s2] =	ssyncadd.s32 $0xFFFFE700  }
0xe8: {  	s4 =	stileid.u32;
	[bflag:$0x0] =	sbarrier.arrive $0xFFFF  }
0xe9: {  	s4 =	sshll.u32 s4, $0x6;
	s5 =	rddreg [dreg:$0x9]  }
0xea: {  	s6 =	rddreg [dreg:$0xf];
	s4 =	sor.u32 $0x1C05, s4  }
0xeb: {  	[hbm:s5], [sflag:s4] =	dma.local [spmem:s6], $0x4E2  }
0xec: {  	_ =	swait.ge [sflag:s17], $0x4E2  }
0xed: {  	[sflag:s17] =	ssyncset.done $0x0;
	s12 =	rddreg [dreg:$0xb]  }
0xee: {  	s13 =	rddreg [dreg:$0x10];
	[sflag:s17] =	ssyncadd.s32 $0xFFFFFB1E  }
0xef: {  	[hbm:s12], [sflag:s4] =	dma.local [spmem:s13], $0x4E2  }
0xf0: {  	_ =	swait.ge [sflag:s17], $0x4E2  }
0xf1: {  	[sflag:s17] =	ssyncset.done $0x0;
	s14 =	rddreg [dreg:$0xc]  }
0xf2: {  	s15 =	rddreg [dreg:$0x11];
	[sflag:s17] =	ssyncadd.s32 $0xFFFFFB1E  }
0xf3: {  	[hbm:s14], [sflag:s4] =	dma.local [spmem:s15], $0x4E2  }
0xf4: {  	_ =	swait.ge [sflag:s17], $0x4E2  }
0xf5: {  	[sflag:s17] =	ssyncset.done $0x0  }
0xf6: {  	s21 =	rddreg [dreg:$0xd];
	[sflag:s17] =	ssyncadd.s32 $0xFFFFFB1E  }
0xf7: {  	[hbm:s21], [sflag:s4] =	dma.local [spmem:s24], $0x4E2  }
0xf8: {  	_ =	swait.ge [sflag:s17], $0x4E2  }
0xf9: {  	[sflag:s17] =	ssyncset.done $0x0  }
0xfa: {  	s22 =	rddreg [dreg:$0xe];
	[sflag:s17] =	ssyncadd.s32 $0xFFFFFB1E  }
0xfb: {  	[hbm:s22], [sflag:s4] =	dma.local [spmem:s25], $0x4E2  }
0xfc: {  	_ =	swait.ge [sflag:s17], $0x4E2  }
0xfd: {  	s26 =	sadd.s32 $0x1, s26;
	s23 =	rddreg [dreg:$0xa]  }
0xfe: {  	p0 =	sne.s32 s26, s23  }
.Ltmp10:
0xff: {  	_ = 	snop;
	(pc) =	sbr.rel @p0 .LBB2_1-.Ltmp10, $3  }
0x100: {  	_ =	sdelay $0x1  }
0x101: {  	[sflag:s17] =	ssyncset.done $0x0  }
0x102: {  	[sflag:s17] =	ssyncadd.s32 $0xFFFFFB1E  }
0x103: {  	_ =	sfence.sel $0x180000  }
0x104: {  	[bflag:$0x0] =	sbarrier.arrive $0xFFFF  }
0x105: {  	_ =	strace $0x90000047  }
0x106: {  	s0 =	stileid.u32;
	[bflag:$0x2] =	sbarrier.arrive $0xFFFF  }
0x107: {  	p0 =	sne.s32 s0, $0x0;
	s0 =	rddreg [dreg:$0x3]  }
0x108: {  	s0 =	sadd.s32 @!p0 $0x100000, s0  }
0x109: {  	[sflag:s0] =	ssyncadd.tile.s32 @!p0 $0x1;
	_ =	shalt  }
.Lfunc_end2:
_tile_overlayer_lowered:
.L_overlay_start_2:
0x10a: {  	(tag) =	ssettag $0x2  }
0x10b: {  	s0 =	rddreg [dreg:$0x0];
	s2 =	stileid.u32  }
0x10c: {  	s1 =	rddreg [dreg:$0x1];
	p0 =	sne.s32 s2, $0x0  }
0x10d: {  	s3 =	rddreg [dreg:$0x2];
	[bflag:$0x3] =	sbarrier.arrive $0xFFFF;
	s2 =	simm.s32 @!p0 $0x1C05  }
0x10e: {  	[timem:s3], [sflag:s2] =	dma.local @!p0 [hbm:s0], s1  }
0x10f: {  	s0 =	simm.s32 @!p0 $0x5  }
0x110: {  	_ =	swait.ge @!p0 [sflag:s0], s1  }
0x111: {  	s1 =	ssub.s32 @!p0 $0x0, s1;
	[sflag:s0] =	ssyncset.done @!p0 $0x0  }
0x112: {  	[sflag:s0] =	ssyncadd.s32 @!p0 s1  }
0x113: {  	[bflag:$0x3] =	sbarrier.arrive $0xFFFF  }
0x114: {  	_ =	shalt  }

</sc_bundles>
